<compile_context>
chip_gen: v7x
topology: tpu7x:2x2x1
jax: 0.10.2.dev20260603
libtpu: 0.0.44.dev20260713+nightly
codegen_flags: <defaults>
</compile_context>

<pallas_src>
import functools
import math

import jax
import jax.numpy as jnp
from jax import lax
from jax.experimental import pallas as pl
from jax.experimental.pallas import tpu as pltpu
from jax.experimental.pallas import tpu_sc as plsc

NC = 2
NS = 16
NW = NC * NS
C = 80
ZL = 128
NH_SPLIT = 5000

D = 16
F32 = jnp.float32


def _proj_body(h_ref, w_ref, b_ref, q_ref, k_ref, v_ref):
    hd = q_ref.shape[1]
    x = jnp.dot(h_ref[...], w_ref[...], preferred_element_type=F32) + b_ref[...]
    q_ref[...] = x[:, :hd]
    k_ref[...] = x[:, hd:2 * hd]
    v_ref[...] = x[:, 2 * hd:]


def _gather_body(src, dst, k_h, q_h, v_h, kg, qg, vg, sidx, didx, kb, qb, vb, sem):
    cid = lax.axis_index("c")
    sid = lax.axis_index("s")
    wid = sid * NC + cid
    epw = kg.shape[0] // NW

    def body(t, carry):
        base = wid * epw + t * C
        pltpu.sync_copy(src.at[pl.ds(base, C)], sidx)
        pltpu.sync_copy(dst.at[pl.ds(base, C)], didx)
        c1 = pltpu.async_copy(k_h.at[sidx], kb, sem)
        c2 = pltpu.async_copy(q_h.at[didx], qb, sem)
        c3 = pltpu.async_copy(v_h.at[sidx], vb, sem)
        c1.wait()
        c2.wait()
        c3.wait()
        pltpu.sync_copy(kb, kg.at[pl.ds(base, C)])
        pltpu.sync_copy(qb, qg.at[pl.ds(base, C)])
        pltpu.sync_copy(vb, vg.at[pl.ds(base, C)])
        return carry

    lax.fori_loop(0, epw // C, body, 0)


def _edge_body(e_ref, kg_ref, qg_ref, vg_ref, we_ref, be_ref, m8_ref, b16_ref,
               eo_ref, wv_ref, s_ref):
    pe = jnp.dot(e_ref[...], we_ref[...], preferred_element_type=F32) + be_ref[...]
    score = kg_ref[...] * qg_ref[...] * pe * (1.0 / math.sqrt(D))
    eo_ref[...] = score
    t = lax.dot_general(score, m8_ref[...], (((1,), (0,)), ((), ())),
                        precision=lax.Precision.HIGHEST,
                        preferred_element_type=F32)
    s16 = jnp.exp(jnp.clip(t, -5.0, 5.0))
    s_ref[...] = s16
    sb = lax.dot_general(s16, b16_ref[...], (((1,), (0,)), ((), ())),
                         precision=lax.Precision.HIGHEST,
                         preferred_element_type=F32)
    wv_ref[...] = vg_ref[...] * sb


def _scatter_body(dst, wv, s16, zbig, zsmall, acc_out, accz_out,
                  acc, accz, didx2, wvb, sb):
    cid = lax.axis_index("c")
    sid = lax.axis_index("s")
    np2 = acc.shape[0]
    rows = np2 // NS
    r0 = sid * rows
    pltpu.sync_copy(zbig, acc.at[pl.ds(r0, rows)])
    pltpu.sync_copy(zsmall, accz.at[pl.ds(r0, rows)])
    plsc.subcore_barrier()

    epw = wv.shape[0] // NS
    EDGES = wv.shape[0]

    def body(t, carry):
        base = sid * epw + t * C
        pltpu.sync_copy(dst.at[pl.ds(cid * EDGES + base, C)], didx2.at[0])
        pltpu.sync_copy(wv.at[pl.ds(base, C)], wvb)
        pltpu.sync_copy(s16.at[pl.ds(base, C)], sb)
        pltpu.sync_copy(wvb, acc.at[didx2.at[0]], add=True)
        pltpu.sync_copy(sb, accz.at[didx2.at[0]], add=True)
        return carry

    lax.fori_loop(0, epw // C, body, 0)
    plsc.subcore_barrier()
    pltpu.sync_copy(acc.at[pl.ds(r0, rows)], acc_out.at[pl.ds(cid * np2 + r0, rows)])
    pltpu.sync_copy(accz.at[pl.ds(r0, rows)], accz_out.at[pl.ds(cid * np2 + r0, rows)])


def _final_body(a_ref, az_ref, b16_ref, o_ref):
    zb = lax.dot_general(az_ref[...], b16_ref[...], (((1,), (0,)), ((), ())),
                         precision=lax.Precision.HIGHEST,
                         preferred_element_type=F32)
    o_ref[...] = a_ref[...] / (zb + 1e-6)


def kernel(edge_index, h, e, Wq, bq, Wk, bk, Wv, bv, We, be):
    n, in_dim = h.shape
    num_e = e.shape[0]
    hd = Wq.shape[1]
    num_heads = hd // D

    edge_index = edge_index.astype(jnp.int32)
    src = edge_index[0]
    dst = edge_index[1]
    W = jnp.concatenate([Wq, Wk, Wv], axis=1)
    b = jnp.concatenate([bq, bk, bv])[None, :]

    f = jnp.arange(hd) // D
    m8 = (f[:, None] == (jnp.arange(ZL) % 16)[None, :]).astype(F32)
    b16 = (jnp.arange(ZL)[:, None] == f[None, :]).astype(F32)

    rn = 2000
    Q, K, V = pl.pallas_call(
        _proj_body,
        grid=(n // rn,),
        in_specs=[pl.BlockSpec((rn, in_dim), lambda i: (i, 0)),
                  pl.BlockSpec((in_dim, 3 * hd), lambda i: (0, 0)),
                  pl.BlockSpec((1, 3 * hd), lambda i: (0, 0))],
        out_specs=[pl.BlockSpec((rn, hd), lambda i: (i, 0))] * 3,
        out_shape=[jax.ShapeDtypeStruct((n, hd), F32)] * 3,
    )(h, W, b)

    mesh = plsc.VectorSubcoreMesh(core_axis_name="c", subcore_axis_name="s")
    kg, qg, vg = pl.kernel(
        _gather_body,
        out_type=[jax.ShapeDtypeStruct((num_e, hd), F32)] * 3,
        mesh=mesh,
        scratch_types=[pltpu.VMEM((C,), jnp.int32),
                       pltpu.VMEM((C,), jnp.int32),
                       pltpu.VMEM((C, hd), F32),
                       pltpu.VMEM((C, hd), F32),
                       pltpu.VMEM((C, hd), F32),
                       pltpu.SemaphoreType.DMA],
    )(src, dst, K, Q, V)

    be2 = be[None, :]
    eb = 2000
    eo, wv, s16 = pl.pallas_call(
        _edge_body,
        grid=(num_e // eb,),
        in_specs=[pl.BlockSpec((eb, in_dim), lambda i: (i, 0)),
                  pl.BlockSpec((eb, hd), lambda i: (i, 0)),
                  pl.BlockSpec((eb, hd), lambda i: (i, 0)),
                  pl.BlockSpec((eb, hd), lambda i: (i, 0)),
                  pl.BlockSpec((in_dim, hd), lambda i: (0, 0)),
                  pl.BlockSpec((1, hd), lambda i: (0, 0)),
                  pl.BlockSpec((hd, ZL), lambda i: (0, 0)),
                  pl.BlockSpec((ZL, hd), lambda i: (0, 0))],
        out_specs=[pl.BlockSpec((eb, hd), lambda i: (i, 0)),
                   pl.BlockSpec((eb, hd), lambda i: (i, 0)),
                   pl.BlockSpec((eb, ZL), lambda i: (i, 0))],
        out_shape=[jax.ShapeDtypeStruct((num_e, hd), F32),
                   jax.ShapeDtypeStruct((num_e, hd), F32),
                   jax.ShapeDtypeStruct((num_e, ZL), F32)],
    )(e, kg, qg, vg, We, be2, m8, b16)

    global NH_SPLIT
    nh = -(-n // NC)
    NH_SPLIT = nh
    np2 = -(-nh // (NS * 64)) * (NS * 64)
    if np2 == nh:
        np2 += NS * 64
    rows = np2 // NS
    core = jnp.arange(NC)[:, None]
    dl = dst[None, :] - core * nh
    dstf = jnp.where((dl >= 0) & (dl < nh), dl, np2 - 1).astype(jnp.int32).reshape(-1)
    zbig = jnp.zeros((rows, hd), F32)
    zsmall = jnp.zeros((rows, ZL), F32)
    acc, accz = pl.kernel(
        _scatter_body,
        out_type=[jax.ShapeDtypeStruct((NC * np2, hd), F32),
                  jax.ShapeDtypeStruct((NC * np2, ZL), F32)],
        mesh=mesh,
        scratch_types=[pltpu.VMEM_SHARED((np2, hd), F32),
                       pltpu.VMEM_SHARED((np2, ZL), F32),
                       pltpu.VMEM((8, C), jnp.int32),
                       pltpu.VMEM((C, hd), F32),
                       pltpu.VMEM((C, ZL), F32)],
    )(dstf, wv, s16, zbig, zsmall)

    rb = 1024
    h_out = pl.pallas_call(
        _final_body,
        grid=(NC * np2 // rb,),
        in_specs=[pl.BlockSpec((rb, hd), lambda i: (i, 0)),
                  pl.BlockSpec((rb, ZL), lambda i: (i, 0)),
                  pl.BlockSpec((ZL, hd), lambda i: (0, 0))],
        out_specs=pl.BlockSpec((rb, hd), lambda i: (i, 0)),
        out_shape=jax.ShapeDtypeStruct((NC * np2, hd), F32),
    )(acc, accz, b16)

    h_out = jnp.concatenate(
        [lax.dynamic_slice_in_dim(h_out, c * np2, nh)[:min(nh, n - c * nh)]
         for c in range(NC)], axis=0)
    return h_out.reshape(n, num_heads, D), eo.reshape(num_e, num_heads, D)

# --- scband reference (transcript-rebuilt; emitter-appended) ---
"""Pipeline reference for scband-multi-head-attention-layer-17506286698742 (READ-ONLY COPY).

The authoritative reference and input builder live on the scoring server;
editing this copy changes nothing except your own understanding.
"""

import jax, jax.numpy as jnp
import numpy as np

N = 10000
E = 320000
IN_DIM = 128
H = 8
D = 16

def setup_inputs(seed: int = 0):
    key = jax.random.key(seed)
    ks = jax.random.split(key, 8)
    h = jax.random.normal(ks[0], (N, IN_DIM), dtype=jnp.float32)
    e = jax.random.normal(ks[1], (E, IN_DIM), dtype=jnp.float32)
    edge_index = jax.random.randint(ks[2], (2, E), 0, N)
    scale = 0.02
    Wq = jax.random.normal(ks[3], (IN_DIM, H * D), dtype=jnp.float32) * scale
    Wk = jax.random.normal(ks[4], (IN_DIM, H * D), dtype=jnp.float32) * scale
    Wv = jax.random.normal(ks[5], (IN_DIM, H * D), dtype=jnp.float32) * scale
    We = jax.random.normal(ks[6], (IN_DIM, H * D), dtype=jnp.float32) * scale
    bq = jnp.zeros((H * D,), dtype=jnp.float32)
    bk = jnp.zeros((H * D,), dtype=jnp.float32)
    bv = jnp.zeros((H * D,), dtype=jnp.float32)
    be = jnp.zeros((H * D,), dtype=jnp.float32)
    return {"edge_index": edge_index, "h": h, "e": e, "Wq": Wq, "bq": bq, "Wk": Wk, "bk": bk, "Wv": Wv, "bv": bv, "We": We, "be": be}

def reference(edge_index, h, e, Wq, bq, Wk, bk, Wv, bv, We, be):
    src = edge_index[0]
    dst = edge_index[1]
    Q_h = (h @ Wq + bq).reshape(N, H, D)
    K_h = (h @ Wk + bk).reshape(N, H, D)
    V_h = (h @ Wv + bv).reshape(N, H, D)
    proj_e = (e @ We + be).reshape(E, H, D)
    # src_dot_dst('K_h', 'Q_h', 'score'): elementwise product per edge
    score = K_h[src] * Q_h[dst]
    # scaling by sqrt(out_dim)
    score = score / jnp.sqrt(jnp.float32(D))
    # imp_exp_attn: multiply by explicit edge features
    score = score * proj_e
    # out_edge_features: e_out is the (pre-exp) score
    e_out = score
    # exp(score.sum(-1, keepdim=True).clamp(-5, 5))
    s = jnp.exp(jnp.clip(jnp.sum(score, axis=-1, keepdims=True), -5.0, 5.0))
    # send_and_recv: sum over incoming edges at dst
    wV = jax.ops.segment_sum(V_h[src] * s, dst, num_segments=N)
    z = jax.ops.segment_sum(s, dst, num_segments=N)
    h_out = wV / (z + 1e-6)
    return (h_out, e_out)

if __name__ == "__main__":
    import jax
    _d = setup_inputs()
    print(jax.jit(kernel)(*tuple(_d.values())))

</pallas_src>

<mosaic_0001>
#map = affine_map<(d0, d1) -> (0)>
#map1 = affine_map<(d0, d1) -> (0, 0)>
module attributes {stable_mosaic.version = 14 : i64} {
  func.func @_gather_body(%arg0: i32, %arg1: i32, %arg2: memref<320000xi32, #tpu.memory_space<hbm>>, %arg3: memref<320000xi32, #tpu.memory_space<hbm>>, %arg4: memref<10000x128xf32, #tpu.memory_space<hbm>>, %arg5: memref<10000x128xf32, #tpu.memory_space<hbm>>, %arg6: memref<10000x128xf32, #tpu.memory_space<hbm>>, %arg7: memref<320000x128xf32, #tpu.memory_space<hbm>>, %arg8: memref<320000x128xf32, #tpu.memory_space<hbm>>, %arg9: memref<320000x128xf32, #tpu.memory_space<hbm>>, %arg10: memref<80xi32, #tpu.memory_space<vmem>>, %arg11: memref<80xi32, #tpu.memory_space<vmem>>, %arg12: memref<80x128xf32, #tpu.memory_space<vmem>>, %arg13: memref<80x128xf32, #tpu.memory_space<vmem>>, %arg14: memref<80x128xf32, #tpu.memory_space<vmem>>, %arg15: memref<!tpu.dma_semaphore, #tpu.memory_space<semaphore_mem>>) attributes {dimension_semantics = [#tpu.dimension_semantics<core_parallel>, #tpu.dimension_semantics<subcore_parallel>], iteration_bounds = array<i64: 2, 16>, scalar_prefetch = 0 : i64, scratch_operands = 6 : i64, tpu.core_type = #tpu.core_type<sc_vector_subcore>, window_params = [{transform_indices = #map}, {transform_indices = #map}, {transform_indices = #map1}, {transform_indices = #map1}, {transform_indices = #map1}, {transform_indices = #map1}, {transform_indices = #map1}, {transform_indices = #map1}]} {
    %mul3A = arith.constant 2 : i32
    %mul3A_0 = arith.muli %arg1, %mul3A : i32
    %add3A = arith.addi %mul3A_0, %arg0 : i32
    %scan3A = arith.constant 0 : i32
    %scan3A_1 = arith.constant 0 : i32
    %scan3A_2 = arith.constant 125 : i32
    %scan3A_3 = arith.addi %scan3A_1, %scan3A_2 : i32
    %scan3A_4 = arith.constant 1 : i32
    scf.for %scan3A_6 = %scan3A_1 to %scan3A_3 step %scan3A_4  : i32 {
      %mul3A_7 = arith.constant 10000 : i32
      %mul3A_8 = arith.muli %add3A, %mul3A_7 : i32
      %mul3A_9 = arith.constant 80 : i32
      %mul3A_10 = arith.muli %scan3A_6, %mul3A_9 : i32
      %add3A_11 = arith.addi %mul3A_8, %mul3A_10 : i32
      "tpu.region"() ({
        %run_scoped3A = tpu.sem_alloc : memref<!tpu.dma_semaphore, #tpu.memory_space<semaphore_mem>>
        %dma_start3A_28 = tpu.memref_slice %arg2[%add3A_11] : memref<320000xi32, #tpu.memory_space<hbm>> -> memref<80xi32, #tpu.memory_space<hbm>>
        %dma_start3A_29 = tpu.memref_slice %arg2[%add3A_11] : memref<320000xi32, #tpu.memory_space<hbm>> -> memref<80xi32, #tpu.memory_space<hbm>>
        tpu.enqueue_dma source(%dma_start3A_29 : memref<80xi32, #tpu.memory_space<hbm>>) target(%arg10 : memref<80xi32, #tpu.memory_space<vmem>>) target_semaphore(%run_scoped3A : memref<!tpu.dma_semaphore, #tpu.memory_space<semaphore_mem>>)
        %dma_wait3A_30 = tpu.memref_slice %arg2[%add3A_11] : memref<320000xi32, #tpu.memory_space<hbm>> -> memref<80xi32, #tpu.memory_space<hbm>>
        %dma_wait3A_31 = tpu.memref_slice %arg2[%add3A_11] : memref<320000xi32, #tpu.memory_space<hbm>> -> memref<80xi32, #tpu.memory_space<hbm>>
        tpu.wait_dma2 semaphore(%run_scoped3A : memref<!tpu.dma_semaphore, #tpu.memory_space<semaphore_mem>>) src(%dma_wait3A_31 : memref<80xi32, #tpu.memory_space<hbm>>) dst(%arg10 : memref<80xi32, #tpu.memory_space<vmem>>)
        tpu.yield
      }) : () -> ()
      "tpu.region"() ({
        %run_scoped3A = tpu.sem_alloc : memref<!tpu.dma_semaphore, #tpu.memory_space<semaphore_mem>>
        %dma_start3A_28 = tpu.memref_slice %arg3[%add3A_11] : memref<320000xi32, #tpu.memory_space<hbm>> -> memref<80xi32, #tpu.memory_space<hbm>>
        %dma_start3A_29 = tpu.memref_slice %arg3[%add3A_11] : memref<320000xi32, #tpu.memory_space<hbm>> -> memref<80xi32, #tpu.memory_space<hbm>>
        tpu.enqueue_dma source(%dma_start3A_29 : memref<80xi32, #tpu.memory_space<hbm>>) target(%arg11 : memref<80xi32, #tpu.memory_space<vmem>>) target_semaphore(%run_scoped3A : memref<!tpu.dma_semaphore, #tpu.memory_space<semaphore_mem>>)
        %dma_wait3A_30 = tpu.memref_slice %arg3[%add3A_11] : memref<320000xi32, #tpu.memory_space<hbm>> -> memref<80xi32, #tpu.memory_space<hbm>>
        %dma_wait3A_31 = tpu.memref_slice %arg3[%add3A_11] : memref<320000xi32, #tpu.memory_space<hbm>> -> memref<80xi32, #tpu.memory_space<hbm>>
        tpu.wait_dma2 semaphore(%run_scoped3A : memref<!tpu.dma_semaphore, #tpu.memory_space<semaphore_mem>>) src(%dma_wait3A_31 : memref<80xi32, #tpu.memory_space<hbm>>) dst(%arg11 : memref<80xi32, #tpu.memory_space<vmem>>)
        tpu.yield
      }) : () -> ()
      %dma_start3A = arith.constant 0 : i32
      %dma_start3A_12 = arith.constant 0 : i32
      %dma_start3A_13 = tpu.memref_slice %arg4[%dma_start3A, %dma_start3A_12] : memref<10000x128xf32, #tpu.memory_space<hbm>> -> memref<10000x128xf32, #tpu.memory_space<hbm>>
      tpu.enqueue_indirect_dma source(%dma_start3A_13 : memref<10000x128xf32, #tpu.memory_space<hbm>>) target(%arg12 : memref<80x128xf32, #tpu.memory_space<vmem>>) offsets(%arg10 : memref<80xi32, #tpu.memory_space<vmem>>) semaphore(%arg15 : memref<!tpu.dma_semaphore, #tpu.memory_space<semaphore_mem>>)
      %dma_start3A_14 = arith.constant 0 : i32
      %dma_start3A_15 = arith.constant 0 : i32
      %dma_start3A_16 = tpu.memref_slice %arg5[%dma_start3A_14, %dma_start3A_15] : memref<10000x128xf32, #tpu.memory_space<hbm>> -> memref<10000x128xf32, #tpu.memory_space<hbm>>
      tpu.enqueue_indirect_dma source(%dma_start3A_16 : memref<10000x128xf32, #tpu.memory_space<hbm>>) target(%arg13 : memref<80x128xf32, #tpu.memory_space<vmem>>) offsets(%arg11 : memref<80xi32, #tpu.memory_space<vmem>>) semaphore(%arg15 : memref<!tpu.dma_semaphore, #tpu.memory_space<semaphore_mem>>)
      %dma_start3A_17 = arith.constant 0 : i32
      %dma_start3A_18 = arith.constant 0 : i32
      %dma_start3A_19 = tpu.memref_slice %arg6[%dma_start3A_17, %dma_start3A_18] : memref<10000x128xf32, #tpu.memory_space<hbm>> -> memref<10000x128xf32, #tpu.memory_space<hbm>>
      tpu.enqueue_indirect_dma source(%dma_start3A_19 : memref<10000x128xf32, #tpu.memory_space<hbm>>) target(%arg14 : memref<80x128xf32, #tpu.memory_space<vmem>>) offsets(%arg10 : memref<80xi32, #tpu.memory_space<vmem>>) semaphore(%arg15 : memref<!tpu.dma_semaphore, #tpu.memory_space<semaphore_mem>>)
      %dma_wait3A = arith.constant 0 : i32
      %dma_wait3A_20 = arith.constant 0 : i32
      %dma_wait3A_21 = tpu.memref_slice %arg4[%dma_wait3A, %dma_wait3A_20] : memref<10000x128xf32, #tpu.memory_space<hbm>> -> memref<10000x128xf32, #tpu.memory_space<hbm>>
      tpu.wait_indirect_dma semaphore(%arg15 : memref<!tpu.dma_semaphore, #tpu.memory_space<semaphore_mem>>) src(%dma_wait3A_21 : memref<10000x128xf32, #tpu.memory_space<hbm>>) dst(%arg12 : memref<80x128xf32, #tpu.memory_space<vmem>>)
      %dma_wait3A_22 = arith.constant 0 : i32
      %dma_wait3A_23 = arith.constant 0 : i32
      %dma_wait3A_24 = tpu.memref_slice %arg5[%dma_wait3A_22, %dma_wait3A_23] : memref<10000x128xf32, #tpu.memory_space<hbm>> -> memref<10000x128xf32, #tpu.memory_space<hbm>>
      tpu.wait_indirect_dma semaphore(%arg15 : memref<!tpu.dma_semaphore, #tpu.memory_space<semaphore_mem>>) src(%dma_wait3A_24 : memref<10000x128xf32, #tpu.memory_space<hbm>>) dst(%arg13 : memref<80x128xf32, #tpu.memory_space<vmem>>)
      %dma_wait3A_25 = arith.constant 0 : i32
      %dma_wait3A_26 = arith.constant 0 : i32
      %dma_wait3A_27 = tpu.memref_slice %arg6[%dma_wait3A_25, %dma_wait3A_26] : memref<10000x128xf32, #tpu.memory_space<hbm>> -> memref<10000x128xf32, #tpu.memory_space<hbm>>
      tpu.wait_indirect_dma semaphore(%arg15 : memref<!tpu.dma_semaphore, #tpu.memory_space<semaphore_mem>>) src(%dma_wait3A_27 : memref<10000x128xf32, #tpu.memory_space<hbm>>) dst(%arg14 : memref<80x128xf32, #tpu.memory_space<vmem>>)
      "tpu.region"() ({
        %run_scoped3A = tpu.sem_alloc : memref<!tpu.dma_semaphore, #tpu.memory_space<semaphore_mem>>
        %dma_start3A_28 = arith.constant 0 : i32
        %dma_start3A_29 = tpu.memref_slice %arg7[%add3A_11, %dma_start3A_28] : memref<320000x128xf32, #tpu.memory_space<hbm>> -> memref<80x128xf32, #tpu.memory_space<hbm>>
        %dma_start3A_30 = arith.constant 0 : i32
        %dma_start3A_31 = tpu.memref_slice %arg7[%add3A_11, %dma_start3A_30] : memref<320000x128xf32, #tpu.memory_space<hbm>> -> memref<80x128xf32, #tpu.memory_space<hbm>>
        tpu.enqueue_dma source(%arg12 : memref<80x128xf32, #tpu.memory_space<vmem>>) target(%dma_start3A_31 : memref<80x128xf32, #tpu.memory_space<hbm>>) target_semaphore(%run_scoped3A : memref<!tpu.dma_semaphore, #tpu.memory_space<semaphore_mem>>)
        %dma_wait3A_32 = arith.constant 0 : i32
        %dma_wait3A_33 = tpu.memref_slice %arg7[%add3A_11, %dma_wait3A_32] : memref<320000x128xf32, #tpu.memory_space<hbm>> -> memref<80x128xf32, #tpu.memory_space<hbm>>
        %dma_wait3A_34 = arith.constant 0 : i32
        %dma_wait3A_35 = tpu.memref_slice %arg7[%add3A_11, %dma_wait3A_34] : memref<320000x128xf32, #tpu.memory_space<hbm>> -> memref<80x128xf32, #tpu.memory_space<hbm>>
        tpu.wait_dma2 semaphore(%run_scoped3A : memref<!tpu.dma_semaphore, #tpu.memory_space<semaphore_mem>>) src(%arg12 : memref<80x128xf32, #tpu.memory_space<vmem>>) dst(%dma_wait3A_35 : memref<80x128xf32, #tpu.memory_space<hbm>>)
        tpu.yield
      }) : () -> ()
      "tpu.region"() ({
        %run_scoped3A = tpu.sem_alloc : memref<!tpu.dma_semaphore, #tpu.memory_space<semaphore_mem>>
        %dma_start3A_28 = arith.constant 0 : i32
        %dma_start3A_29 = tpu.memref_slice %arg8[%add3A_11, %dma_start3A_28] : memref<320000x128xf32, #tpu.memory_space<hbm>> -> memref<80x128xf32, #tpu.memory_space<hbm>>
        %dma_start3A_30 = arith.constant 0 : i32
        %dma_start3A_31 = tpu.memref_slice %arg8[%add3A_11, %dma_start3A_30] : memref<320000x128xf32, #tpu.memory_space<hbm>> -> memref<80x128xf32, #tpu.memory_space<hbm>>
        tpu.enqueue_dma source(%arg13 : memref<80x128xf32, #tpu.memory_space<vmem>>) target(%dma_start3A_31 : memref<80x128xf32, #tpu.memory_space<hbm>>) target_semaphore(%run_scoped3A : memref<!tpu.dma_semaphore, #tpu.memory_space<semaphore_mem>>)
        %dma_wait3A_32 = arith.constant 0 : i32
        %dma_wait3A_33 = tpu.memref_slice %arg8[%add3A_11, %dma_wait3A_32] : memref<320000x128xf32, #tpu.memory_space<hbm>> -> memref<80x128xf32, #tpu.memory_space<hbm>>
        %dma_wait3A_34 = arith.constant 0 : i32
        %dma_wait3A_35 = tpu.memref_slice %arg8[%add3A_11, %dma_wait3A_34] : memref<320000x128xf32, #tpu.memory_space<hbm>> -> memref<80x128xf32, #tpu.memory_space<hbm>>
        tpu.wait_dma2 semaphore(%run_scoped3A : memref<!tpu.dma_semaphore, #tpu.memory_space<semaphore_mem>>) src(%arg13 : memref<80x128xf32, #tpu.memory_space<vmem>>) dst(%dma_wait3A_35 : memref<80x128xf32, #tpu.memory_space<hbm>>)
        tpu.yield
      }) : () -> ()
      "tpu.region"() ({
        %run_scoped3A = tpu.sem_alloc : memref<!tpu.dma_semaphore, #tpu.memory_space<semaphore_mem>>
        %dma_start3A_28 = arith.constant 0 : i32
        %dma_start3A_29 = tpu.memref_slice %arg9[%add3A_11, %dma_start3A_28] : memref<320000x128xf32, #tpu.memory_space<hbm>> -> memref<80x128xf32, #tpu.memory_space<hbm>>
        %dma_start3A_30 = arith.constant 0 : i32
        %dma_start3A_31 = tpu.memref_slice %arg9[%add3A_11, %dma_start3A_30] : memref<320000x128xf32, #tpu.memory_space<hbm>> -> memref<80x128xf32, #tpu.memory_space<hbm>>
        tpu.enqueue_dma source(%arg14 : memref<80x128xf32, #tpu.memory_space<vmem>>) target(%dma_start3A_31 : memref<80x128xf32, #tpu.memory_space<hbm>>) target_semaphore(%run_scoped3A : memref<!tpu.dma_semaphore, #tpu.memory_space<semaphore_mem>>)
        %dma_wait3A_32 = arith.constant 0 : i32
        %dma_wait3A_33 = tpu.memref_slice %arg9[%add3A_11, %dma_wait3A_32] : memref<320000x128xf32, #tpu.memory_space<hbm>> -> memref<80x128xf32, #tpu.memory_space<hbm>>
        %dma_wait3A_34 = arith.constant 0 : i32
        %dma_wait3A_35 = tpu.memref_slice %arg9[%add3A_11, %dma_wait3A_34] : memref<320000x128xf32, #tpu.memory_space<hbm>> -> memref<80x128xf32, #tpu.memory_space<hbm>>
        tpu.wait_dma2 semaphore(%run_scoped3A : memref<!tpu.dma_semaphore, #tpu.memory_space<semaphore_mem>>) src(%arg14 : memref<80x128xf32, #tpu.memory_space<vmem>>) dst(%dma_wait3A_35 : memref<80x128xf32, #tpu.memory_space<hbm>>)
        tpu.yield
      }) : () -> ()
    }
    %scan3A_5 = arith.constant 125 : i32
    return
  }
}

#map = affine_map<(d0, d1) -> (0)>
#map1 = affine_map<(d0, d1) -> (0, 0)>
module attributes {stable_mosaic.version = 14 : i64} {
  func.func @_scatter_body(%arg0: i32, %arg1: i32, %arg2: memref<640000xi32, #tpu.memory_space<hbm>>, %arg3: memref<320000x128xf32, #tpu.memory_space<hbm>>, %arg4: memref<320000x128xf32, #tpu.memory_space<hbm>>, %arg5: memref<320x128xf32, #tpu.memory_space<hbm>>, %arg6: memref<320x128xf32, #tpu.memory_space<hbm>>, %arg7: memref<10240x128xf32, #tpu.memory_space<hbm>>, %arg8: memref<10240x128xf32, #tpu.memory_space<hbm>>, %arg9: memref<5120x128xf32, #tpu.memory_space<vmem_shared>>, %arg10: memref<5120x128xf32, #tpu.memory_space<vmem_shared>>, %arg11: memref<8x80xi32, #tpu.memory_space<vmem>>, %arg12: memref<80x128xf32, #tpu.memory_space<vmem>>, %arg13: memref<80x128xf32, #tpu.memory_space<vmem>>) attributes {dimension_semantics = [#tpu.dimension_semantics<core_parallel>, #tpu.dimension_semantics<subcore_parallel>], iteration_bounds = array<i64: 2, 16>, scalar_prefetch = 0 : i64, scratch_operands = 5 : i64, tpu.core_type = #tpu.core_type<sc_vector_subcore>, window_params = [{transform_indices = #map}, {transform_indices = #map1}, {transform_indices = #map1}, {transform_indices = #map1}, {transform_indices = #map1}, {transform_indices = #map1}, {transform_indices = #map1}]} {
    %mul3A = arith.constant 320 : i32
    %mul3A_0 = arith.muli %arg1, %mul3A : i32
    "tpu.region"() ({
      %run_scoped3A = tpu.sem_alloc : memref<!tpu.dma_semaphore, #tpu.memory_space<semaphore_mem>>
      %dma_start3A = arith.constant 0 : i32
      %dma_start3A_12 = tpu.memref_slice %arg9[%mul3A_0, %dma_start3A] : memref<5120x128xf32, #tpu.memory_space<vmem_shared>> -> memref<320x128xf32, #tpu.memory_space<vmem_shared>>
      tpu.enqueue_dma source(%arg5 : memref<320x128xf32, #tpu.memory_space<hbm>>) target(%dma_start3A_12 : memref<320x128xf32, #tpu.memory_space<vmem_shared>>) target_semaphore(%run_scoped3A : memref<!tpu.dma_semaphore, #tpu.memory_space<semaphore_mem>>)
      %dma_wait3A = arith.constant 0 : i32
      %dma_wait3A_13 = tpu.memref_slice %arg9[%mul3A_0, %dma_wait3A] : memref<5120x128xf32, #tpu.memory_space<vmem_shared>> -> memref<320x128xf32, #tpu.memory_space<vmem_shared>>
      tpu.wait_dma2 semaphore(%run_scoped3A : memref<!tpu.dma_semaphore, #tpu.memory_space<semaphore_mem>>) src(%arg5 : memref<320x128xf32, #tpu.memory_space<hbm>>) dst(%dma_wait3A_13 : memref<320x128xf32, #tpu.memory_space<vmem_shared>>)
      tpu.yield
    }) : () -> ()
    "tpu.region"() ({
      %run_scoped3A = tpu.sem_alloc : memref<!tpu.dma_semaphore, #tpu.memory_space<semaphore_mem>>
      %dma_start3A = arith.constant 0 : i32
      %dma_start3A_12 = tpu.memref_slice %arg10[%mul3A_0, %dma_start3A] : memref<5120x128xf32, #tpu.memory_space<vmem_shared>> -> memref<320x128xf32, #tpu.memory_space<vmem_shared>>
      tpu.enqueue_dma source(%arg6 : memref<320x128xf32, #tpu.memory_space<hbm>>) target(%dma_start3A_12 : memref<320x128xf32, #tpu.memory_space<vmem_shared>>) target_semaphore(%run_scoped3A : memref<!tpu.dma_semaphore, #tpu.memory_space<semaphore_mem>>)
      %dma_wait3A = arith.constant 0 : i32
      %dma_wait3A_13 = tpu.memref_slice %arg10[%mul3A_0, %dma_wait3A] : memref<5120x128xf32, #tpu.memory_space<vmem_shared>> -> memref<320x128xf32, #tpu.memory_space<vmem_shared>>
      tpu.wait_dma2 semaphore(%run_scoped3A : memref<!tpu.dma_semaphore, #tpu.memory_space<semaphore_mem>>) src(%arg6 : memref<320x128xf32, #tpu.memory_space<hbm>>) dst(%dma_wait3A_13 : memref<320x128xf32, #tpu.memory_space<vmem_shared>>)
      tpu.yield
    }) : () -> ()
    %barrier3A = arith.constant 0 : index
    tpu.barrier barrier_id(%barrier3A)
    %scan3A = arith.constant 0 : i32
    %scan3A_1 = arith.constant 0 : i32
    %scan3A_2 = arith.constant 250 : i32
    %scan3A_3 = arith.addi %scan3A_1, %scan3A_2 : i32
    %scan3A_4 = arith.constant 1 : i32
    scf.for %scan3A_12 = %scan3A_1 to %scan3A_3 step %scan3A_4  : i32 {
      %mul3A_13 = arith.constant 20000 : i32
      %mul3A_14 = arith.muli %arg1, %mul3A_13 : i32
      %mul3A_15 = arith.constant 80 : i32
      %mul3A_16 = arith.muli %scan3A_12, %mul3A_15 : i32
      %add3A_17 = arith.addi %mul3A_14, %mul3A_16 : i32
      %mul3A_18 = arith.constant 320000 : i32
      %mul3A_19 = arith.muli %arg0, %mul3A_18 : i32
      %add3A_20 = arith.addi %mul3A_19, %add3A_17 : i32
      %run_scoped3A = arith.constant 0 : i32
      "tpu.region"() ({
        %run_scoped3A_23 = tpu.sem_alloc : memref<!tpu.dma_semaphore, #tpu.memory_space<semaphore_mem>>
        %dma_start3A = arith.constant 0 : i32
        %dma_start3A_24 = tpu.memref_slice %arg11[%run_scoped3A, %dma_start3A] : memref<8x80xi32, #tpu.memory_space<vmem>> -> memref<1x80xi32, #tpu.memory_space<vmem>>
        %dma_start3A_25 = tpu.memref_squeeze %dma_start3A_24 : memref<1x80xi32, #tpu.memory_space<vmem>> -> memref<80xi32, #tpu.memory_space<vmem>>
        %dma_start3A_26 = tpu.memref_slice %arg2[%add3A_20] : memref<640000xi32, #tpu.memory_space<hbm>> -> memref<80xi32, #tpu.memory_space<hbm>>
        %dma_start3A_27 = arith.constant 0 : i32
        %dma_start3A_28 = tpu.memref_slice %arg11[%run_scoped3A, %dma_start3A_27] : memref<8x80xi32, #tpu.memory_space<vmem>> -> memref<1x80xi32, #tpu.memory_space<vmem>>
        %dma_start3A_29 = tpu.memref_squeeze %dma_start3A_28 : memref<1x80xi32, #tpu.memory_space<vmem>> -> memref<80xi32, #tpu.memory_space<vmem>>
        %dma_start3A_30 = tpu.memref_slice %arg2[%add3A_20] : memref<640000xi32, #tpu.memory_space<hbm>> -> memref<80xi32, #tpu.memory_space<hbm>>
        tpu.enqueue_dma source(%dma_start3A_30 : memref<80xi32, #tpu.memory_space<hbm>>) target(%dma_start3A_29 : memref<80xi32, #tpu.memory_space<vmem>>) target_semaphore(%run_scoped3A_23 : memref<!tpu.dma_semaphore, #tpu.memory_space<semaphore_mem>>)
        %dma_wait3A = arith.constant 0 : i32
        %dma_wait3A_31 = tpu.memref_slice %arg11[%run_scoped3A, %dma_wait3A] : memref<8x80xi32, #tpu.memory_space<vmem>> -> memref<1x80xi32, #tpu.memory_space<vmem>>
        %dma_wait3A_32 = tpu.memref_squeeze %dma_wait3A_31 : memref<1x80xi32, #tpu.memory_space<vmem>> -> memref<80xi32, #tpu.memory_space<vmem>>
        %dma_wait3A_33 = tpu.memref_slice %arg2[%add3A_20] : memref<640000xi32, #tpu.memory_space<hbm>> -> memref<80xi32, #tpu.memory_space<hbm>>
        %dma_wait3A_34 = arith.constant 0 : i32
        %dma_wait3A_35 = tpu.memref_slice %arg11[%run_scoped3A, %dma_wait3A_34] : memref<8x80xi32, #tpu.memory_space<vmem>> -> memref<1x80xi32, #tpu.memory_space<vmem>>
        %dma_wait3A_36 = tpu.memref_squeeze %dma_wait3A_35 : memref<1x80xi32, #tpu.memory_space<vmem>> -> memref<80xi32, #tpu.memory_space<vmem>>
        %dma_wait3A_37 = tpu.memref_slice %arg2[%add3A_20] : memref<640000xi32, #tpu.memory_space<hbm>> -> memref<80xi32, #tpu.memory_space<hbm>>
        tpu.wait_dma2 semaphore(%run_scoped3A_23 : memref<!tpu.dma_semaphore, #tpu.memory_space<semaphore_mem>>) src(%dma_wait3A_37 : memref<80xi32, #tpu.memory_space<hbm>>) dst(%dma_wait3A_36 : memref<80xi32, #tpu.memory_space<vmem>>)
        tpu.yield
      }) : () -> ()
      "tpu.region"() ({
        %run_scoped3A_23 = tpu.sem_alloc : memref<!tpu.dma_semaphore, #tpu.memory_space<semaphore_mem>>
        %dma_start3A = arith.constant 0 : i32
        %dma_start3A_24 = tpu.memref_slice %arg3[%add3A_17, %dma_start3A] : memref<320000x128xf32, #tpu.memory_space<hbm>> -> memref<80x128xf32, #tpu.memory_space<hbm>>
        %dma_start3A_25 = arith.constant 0 : i32
        %dma_start3A_26 = tpu.memref_slice %arg3[%add3A_17, %dma_start3A_25] : memref<320000x128xf32, #tpu.memory_space<hbm>> -> memref<80x128xf32, #tpu.memory_space<hbm>>
        tpu.enqueue_dma source(%dma_start3A_26 : memref<80x128xf32, #tpu.memory_space<hbm>>) target(%arg12 : memref<80x128xf32, #tpu.memory_space<vmem>>) target_semaphore(%run_scoped3A_23 : memref<!tpu.dma_semaphore, #tpu.memory_space<semaphore_mem>>)
        %dma_wait3A = arith.constant 0 : i32
        %dma_wait3A_27 = tpu.memref_slice %arg3[%add3A_17, %dma_wait3A] : memref<320000x128xf32, #tpu.memory_space<hbm>> -> memref<80x128xf32, #tpu.memory_space<hbm>>
        %dma_wait3A_28 = arith.constant 0 : i32
        %dma_wait3A_29 = tpu.memref_slice %arg3[%add3A_17, %dma_wait3A_28] : memref<320000x128xf32, #tpu.memory_space<hbm>> -> memref<80x128xf32, #tpu.memory_space<hbm>>
        tpu.wait_dma2 semaphore(%run_scoped3A_23 : memref<!tpu.dma_semaphore, #tpu.memory_space<semaphore_mem>>) src(%dma_wait3A_29 : memref<80x128xf32, #tpu.memory_space<hbm>>) dst(%arg12 : memref<80x128xf32, #tpu.memory_space<vmem>>)
        tpu.yield
      }) : () -> ()
      "tpu.region"() ({
        %run_scoped3A_23 = tpu.sem_alloc : memref<!tpu.dma_semaphore, #tpu.memory_space<semaphore_mem>>
        %dma_start3A = arith.constant 0 : i32
        %dma_start3A_24 = tpu.memref_slice %arg4[%add3A_17, %dma_start3A] : memref<320000x128xf32, #tpu.memory_space<hbm>> -> memref<80x128xf32, #tpu.memory_space<hbm>>
        %dma_start3A_25 = arith.constant 0 : i32
        %dma_start3A_26 = tpu.memref_slice %arg4[%add3A_17, %dma_start3A_25] : memref<320000x128xf32, #tpu.memory_space<hbm>> -> memref<80x128xf32, #tpu.memory_space<hbm>>
        tpu.enqueue_dma source(%dma_start3A_26 : memref<80x128xf32, #tpu.memory_space<hbm>>) target(%arg13 : memref<80x128xf32, #tpu.memory_space<vmem>>) target_semaphore(%run_scoped3A_23 : memref<!tpu.dma_semaphore, #tpu.memory_space<semaphore_mem>>)
        %dma_wait3A = arith.constant 0 : i32
        %dma_wait3A_27 = tpu.memref_slice %arg4[%add3A_17, %dma_wait3A] : memref<320000x128xf32, #tpu.memory_space<hbm>> -> memref<80x128xf32, #tpu.memory_space<hbm>>
        %dma_wait3A_28 = arith.constant 0 : i32
        %dma_wait3A_29 = tpu.memref_slice %arg4[%add3A_17, %dma_wait3A_28] : memref<320000x128xf32, #tpu.memory_space<hbm>> -> memref<80x128xf32, #tpu.memory_space<hbm>>
        tpu.wait_dma2 semaphore(%run_scoped3A_23 : memref<!tpu.dma_semaphore, #tpu.memory_space<semaphore_mem>>) src(%dma_wait3A_29 : memref<80x128xf32, #tpu.memory_space<hbm>>) dst(%arg13 : memref<80x128xf32, #tpu.memory_space<vmem>>)
        tpu.yield
      }) : () -> ()
      %run_scoped3A_21 = arith.constant 0 : i32
      "tpu.region"() ({
        %run_scoped3A_23 = tpu.sem_alloc : memref<!tpu.dma_semaphore, #tpu.memory_space<semaphore_mem>>
        %dma_start3A = arith.constant 0 : i32
        %dma_start3A_24 = tpu.memref_slice %arg11[%run_scoped3A_21, %dma_start3A] : memref<8x80xi32, #tpu.memory_space<vmem>> -> memref<1x80xi32, #tpu.memory_space<vmem>>
        %dma_start3A_25 = tpu.memref_squeeze %dma_start3A_24 : memref<1x80xi32, #tpu.memory_space<vmem>> -> memref<80xi32, #tpu.memory_space<vmem>>
        %dma_start3A_26 = arith.constant 0 : i32
        %dma_start3A_27 = arith.constant 0 : i32
        %dma_start3A_28 = tpu.memref_slice %arg9[%dma_start3A_26, %dma_start3A_27] : memref<5120x128xf32, #tpu.memory_space<vmem_shared>> -> memref<5120x128xf32, #tpu.memory_space<vmem_shared>>
        tpu.enqueue_indirect_dma source(%arg12 : memref<80x128xf32, #tpu.memory_space<vmem>>) target(%dma_start3A_28 : memref<5120x128xf32, #tpu.memory_space<vmem_shared>>) offsets(%dma_start3A_25 : memref<80xi32, #tpu.memory_space<vmem>>) semaphore(%run_scoped3A_23 : memref<!tpu.dma_semaphore, #tpu.memory_space<semaphore_mem>>) {add = true}
        %dma_wait3A = arith.constant 0 : i32
        %dma_wait3A_29 = tpu.memref_slice %arg11[%run_scoped3A_21, %dma_wait3A] : memref<8x80xi32, #tpu.memory_space<vmem>> -> memref<1x80xi32, #tpu.memory_space<vmem>>
        %dma_wait3A_30 = tpu.memref_squeeze %dma_wait3A_29 : memref<1x80xi32, #tpu.memory_space<vmem>> -> memref<80xi32, #tpu.memory_space<vmem>>
        %dma_wait3A_31 = arith.constant 0 : i32
        %dma_wait3A_32 = arith.constant 0 : i32
        %dma_wait3A_33 = tpu.memref_slice %arg9[%dma_wait3A_31, %dma_wait3A_32] : memref<5120x128xf32, #tpu.memory_space<vmem_shared>> -> memref<5120x128xf32, #tpu.memory_space<vmem_shared>>
        tpu.wait_indirect_dma semaphore(%run_scoped3A_23 : memref<!tpu.dma_semaphore, #tpu.memory_space<semaphore_mem>>) src(%arg12 : memref<80x128xf32, #tpu.memory_space<vmem>>) dst(%dma_wait3A_33 : memref<5120x128xf32, #tpu.memory_space<vmem_shared>>)
        tpu.yield
      }) : () -> ()
      %run_scoped3A_22 = arith.constant 0 : i32
      "tpu.region"() ({
        %run_scoped3A_23 = tpu.sem_alloc : memref<!tpu.dma_semaphore, #tpu.memory_space<semaphore_mem>>
        %dma_start3A = arith.constant 0 : i32
        %dma_start3A_24 = tpu.memref_slice %arg11[%run_scoped3A_22, %dma_start3A] : memref<8x80xi32, #tpu.memory_space<vmem>> -> memref<1x80xi32, #tpu.memory_space<vmem>>
        %dma_start3A_25 = tpu.memref_squeeze %dma_start3A_24 : memref<1x80xi32, #tpu.memory_space<vmem>> -> memref<80xi32, #tpu.memory_space<vmem>>
        %dma_start3A_26 = arith.constant 0 : i32
        %dma_start3A_27 = arith.constant 0 : i32
        %dma_start3A_28 = tpu.memref_slice %arg10[%dma_start3A_26, %dma_start3A_27] : memref<5120x128xf32, #tpu.memory_space<vmem_shared>> -> memref<5120x128xf32, #tpu.memory_space<vmem_shared>>
        tpu.enqueue_indirect_dma source(%arg13 : memref<80x128xf32, #tpu.memory_space<vmem>>) target(%dma_start3A_28 : memref<5120x128xf32, #tpu.memory_space<vmem_shared>>) offsets(%dma_start3A_25 : memref<80xi32, #tpu.memory_space<vmem>>) semaphore(%run_scoped3A_23 : memref<!tpu.dma_semaphore, #tpu.memory_space<semaphore_mem>>) {add = true}
        %dma_wait3A = arith.constant 0 : i32
        %dma_wait3A_29 = tpu.memref_slice %arg11[%run_scoped3A_22, %dma_wait3A] : memref<8x80xi32, #tpu.memory_space<vmem>> -> memref<1x80xi32, #tpu.memory_space<vmem>>
        %dma_wait3A_30 = tpu.memref_squeeze %dma_wait3A_29 : memref<1x80xi32, #tpu.memory_space<vmem>> -> memref<80xi32, #tpu.memory_space<vmem>>
        %dma_wait3A_31 = arith.constant 0 : i32
        %dma_wait3A_32 = arith.constant 0 : i32
        %dma_wait3A_33 = tpu.memref_slice %arg10[%dma_wait3A_31, %dma_wait3A_32] : memref<5120x128xf32, #tpu.memory_space<vmem_shared>> -> memref<5120x128xf32, #tpu.memory_space<vmem_shared>>
        tpu.wait_indirect_dma semaphore(%run_scoped3A_23 : memref<!tpu.dma_semaphore, #tpu.memory_space<semaphore_mem>>) src(%arg13 : memref<80x128xf32, #tpu.memory_space<vmem>>) dst(%dma_wait3A_33 : memref<5120x128xf32, #tpu.memory_space<vmem_shared>>)
        tpu.yield
      }) : () -> ()
    }
    %scan3A_5 = arith.constant 250 : i32
    %barrier3A_6 = arith.constant 0 : index
    tpu.barrier barrier_id(%barrier3A_6)
    %mul3A_7 = arith.constant 5120 : i32
    %mul3A_8 = arith.muli %arg0, %mul3A_7 : i32
    %add3A = arith.addi %mul3A_8, %mul3A_0 : i32
    "tpu.region"() ({
      %run_scoped3A = tpu.sem_alloc : memref<!tpu.dma_semaphore, #tpu.memory_space<semaphore_mem>>
      %dma_start3A = arith.constant 0 : i32
      %dma_start3A_12 = tpu.memref_slice %arg7[%add3A, %dma_start3A] : memref<10240x128xf32, #tpu.memory_space<hbm>> -> memref<320x128xf32, #tpu.memory_space<hbm>>
      %dma_start3A_13 = arith.constant 0 : i32
      %dma_start3A_14 = tpu.memref_slice %arg9[%mul3A_0, %dma_start3A_13] : memref<5120x128xf32, #tpu.memory_space<vmem_shared>> -> memref<320x128xf32, #tpu.memory_space<vmem_shared>>
      tpu.enqueue_dma source(%dma_start3A_14 : memref<320x128xf32, #tpu.memory_space<vmem_shared>>) target(%dma_start3A_12 : memref<320x128xf32, #tpu.memory_space<hbm>>) target_semaphore(%run_scoped3A : memref<!tpu.dma_semaphore, #tpu.memory_space<semaphore_mem>>)
      %dma_wait3A = arith.constant 0 : i32
      %dma_wait3A_15 = tpu.memref_slice %arg7[%add3A, %dma_wait3A] : memref<10240x128xf32, #tpu.memory_space<hbm>> -> memref<320x128xf32, #tpu.memory_space<hbm>>
      %dma_wait3A_16 = arith.constant 0 : i32
      %dma_wait3A_17 = tpu.memref_slice %arg9[%mul3A_0, %dma_wait3A_16] : memref<5120x128xf32, #tpu.memory_space<vmem_shared>> -> memref<320x128xf32, #tpu.memory_space<vmem_shared>>
      tpu.wait_dma2 semaphore(%run_scoped3A : memref<!tpu.dma_semaphore, #tpu.memory_space<semaphore_mem>>) src(%dma_wait3A_17 : memref<320x128xf32, #tpu.memory_space<vmem_shared>>) dst(%dma_wait3A_15 : memref<320x128xf32, #tpu.memory_space<hbm>>)
      tpu.yield
    }) : () -> ()
    %mul3A_9 = arith.constant 5120 : i32
    %mul3A_10 = arith.muli %arg0, %mul3A_9 : i32
    %add3A_11 = arith.addi %mul3A_10, %mul3A_0 : i32
    "tpu.region"() ({
      %run_scoped3A = tpu.sem_alloc : memref<!tpu.dma_semaphore, #tpu.memory_space<semaphore_mem>>
      %dma_start3A = arith.constant 0 : i32
      %dma_start3A_12 = tpu.memref_slice %arg8[%add3A_11, %dma_start3A] : memref<10240x128xf32, #tpu.memory_space<hbm>> -> memref<320x128xf32, #tpu.memory_space<hbm>>
      %dma_start3A_13 = arith.constant 0 : i32
      %dma_start3A_14 = tpu.memref_slice %arg10[%mul3A_0, %dma_start3A_13] : memref<5120x128xf32, #tpu.memory_space<vmem_shared>> -> memref<320x128xf32, #tpu.memory_space<vmem_shared>>
      tpu.enqueue_dma source(%dma_start3A_14 : memref<320x128xf32, #tpu.memory_space<vmem_shared>>) target(%dma_start3A_12 : memref<320x128xf32, #tpu.memory_space<hbm>>) target_semaphore(%run_scoped3A : memref<!tpu.dma_semaphore, #tpu.memory_space<semaphore_mem>>)
      %dma_wait3A = arith.constant 0 : i32
      %dma_wait3A_15 = tpu.memref_slice %arg8[%add3A_11, %dma_wait3A] : memref<10240x128xf32, #tpu.memory_space<hbm>> -> memref<320x128xf32, #tpu.memory_space<hbm>>
      %dma_wait3A_16 = arith.constant 0 : i32
      %dma_wait3A_17 = tpu.memref_slice %arg10[%mul3A_0, %dma_wait3A_16] : memref<5120x128xf32, #tpu.memory_space<vmem_shared>> -> memref<320x128xf32, #tpu.memory_space<vmem_shared>>
      tpu.wait_dma2 semaphore(%run_scoped3A : memref<!tpu.dma_semaphore, #tpu.memory_space<semaphore_mem>>) src(%dma_wait3A_17 : memref<320x128xf32, #tpu.memory_space<vmem_shared>>) dst(%dma_wait3A_15 : memref<320x128xf32, #tpu.memory_space<hbm>>)
      tpu.yield
    }) : () -> ()
    return
  }
}

module attributes {stable_mosaic.version = 14 : i64} {
  func.func @_proj_body(%arg0: i32, %arg1: memref<2000x128xf32, #tpu.memory_space<vmem>>, %arg2: memref<128x384xf32, #tpu.memory_space<vmem>>, %arg3: memref<1x384xf32, #tpu.memory_space<vmem>>, %arg4: memref<2000x128xf32, #tpu.memory_space<vmem>>, %arg5: memref<2000x128xf32, #tpu.memory_space<vmem>>, %arg6: memref<2000x128xf32, #tpu.memory_space<vmem>>) attributes {dimension_semantics = [#tpu.dimension_semantics<arbitrary>], iteration_bounds = array<i64: 5>, scalar_prefetch = 0 : i64, scratch_operands = 0 : i64, tpu.core_type = #tpu.core_type<tc>, window_params = [{transform_indices = @transform_0, window_bounds = array<i64: 2000, 128>}, {pipeline_mode = #tpu.pipeline_mode<synchronous>, transform_indices = @transform_1, window_bounds = array<i64: 128, 384>}, {pipeline_mode = #tpu.pipeline_mode<synchronous>, transform_indices = @transform_2, window_bounds = array<i64: 1, 384>}, {transform_indices = @transform_3, window_bounds = array<i64: 2000, 128>}, {transform_indices = @transform_4, window_bounds = array<i64: 2000, 128>}, {transform_indices = @transform_5, window_bounds = array<i64: 2000, 128>}]} {
    %get3A = arith.constant 0 : index
    %get3A_0 = arith.constant 0 : index
    %get3A_1 = vector.load %arg1[%get3A, %get3A_0] : memref<2000x128xf32, #tpu.memory_space<vmem>>, vector<2000x128xf32>
    %get3A_2 = arith.constant 0 : index
    %get3A_3 = arith.constant 0 : index
    %get3A_4 = vector.load %arg2[%get3A_2, %get3A_3] : memref<128x384xf32, #tpu.memory_space<vmem>>, vector<128x384xf32>
    %dot_general3A = arith.constant dense<0.000000e+00> : vector<2000x384xf32>
    %dot_general3A_5 = tpu.matmul %get3A_1, %get3A_4, %dot_general3A {dimension_numbers = #tpu.dot_dimension_numbers<[1], [0], [0], [1], [0, 0, 1, 1], [], []>, transpose_lhs_hint = false} : vector<2000x128xf32>, vector<128x384xf32>, vector<2000x384xf32> -> vector<2000x384xf32>
    %get3A_6 = arith.constant 0 : index
    %get3A_7 = arith.constant 0 : index
    %get3A_8 = vector.load %arg3[%get3A_6, %get3A_7] : memref<1x384xf32, #tpu.memory_space<vmem>>, vector<1x384xf32>
    %add3A = vector.broadcast %get3A_8 : vector<1x384xf32> to vector<2000x384xf32>
    %add3A_9 = arith.addf %dot_general3A_5, %add3A : vector<2000x384xf32>
    %slice3A = vector.extract_strided_slice %add3A_9 {offsets = [0, 0], sizes = [2000, 128], strides = [1, 1]} : vector<2000x384xf32> to vector<2000x128xf32>
    %swap3A = arith.constant 0 : index
    %swap3A_10 = arith.constant 0 : index
    %swap3A_11 = vector.load %arg4[%swap3A, %swap3A_10] : memref<2000x128xf32, #tpu.memory_space<vmem>>, vector<2000x128xf32>
    tpu.vector_store %arg4[%swap3A, %swap3A_10], %slice3A {strides = array<i32>} : memref<2000x128xf32, #tpu.memory_space<vmem>>, vector<2000x128xf32>,
    %slice3A_12 = vector.extract_strided_slice %add3A_9 {offsets = [0, 128], sizes = [2000, 128], strides = [1, 1]} : vector<2000x384xf32> to vector<2000x128xf32>
    %swap3A_13 = arith.constant 0 : index
    %swap3A_14 = arith.constant 0 : index
    %swap3A_15 = vector.load %arg5[%swap3A_13, %swap3A_14] : memref<2000x128xf32, #tpu.memory_space<vmem>>, vector<2000x128xf32>
    tpu.vector_store %arg5[%swap3A_13, %swap3A_14], %slice3A_12 {strides = array<i32>} : memref<2000x128xf32, #tpu.memory_space<vmem>>, vector<2000x128xf32>,
    %slice3A_16 = vector.extract_strided_slice %add3A_9 {offsets = [0, 256], sizes = [2000, 128], strides = [1, 1]} : vector<2000x384xf32> to vector<2000x128xf32>
    %swap3A_17 = arith.constant 0 : index
    %swap3A_18 = arith.constant 0 : index
    %swap3A_19 = vector.load %arg6[%swap3A_17, %swap3A_18] : memref<2000x128xf32, #tpu.memory_space<vmem>>, vector<2000x128xf32>
    tpu.vector_store %arg6[%swap3A_17, %swap3A_18], %slice3A_16 {strides = array<i32>} : memref<2000x128xf32, #tpu.memory_space<vmem>>, vector<2000x128xf32>,
    return
  }
  func.func @transform_0(%arg0: i32) -> (i32, i32) {
    %c0_i32 = arith.constant 0 : i32
    %c0_i32_0 = arith.constant 0 : i32
    return %arg0, %c0_i32 : i32, i32
  }
  func.func @transform_1(%arg0: i32) -> (i32, i32) {
    %c0_i32 = arith.constant 0 : i32
    %c0_i32_0 = arith.constant 0 : i32
    %c0_i32_1 = arith.constant 0 : i32
    return %c0_i32, %c0_i32_0 : i32, i32
  }
  func.func @transform_2(%arg0: i32) -> (i32, i32) {
    %c0_i32 = arith.constant 0 : i32
    %c0_i32_0 = arith.constant 0 : i32
    %c0_i32_1 = arith.constant 0 : i32
    return %c0_i32, %c0_i32_0 : i32, i32
  }
  func.func @transform_3(%arg0: i32) -> (i32, i32) {
    %c0_i32 = arith.constant 0 : i32
    %c0_i32_0 = arith.constant 0 : i32
    return %arg0, %c0_i32 : i32, i32
  }
  func.func @transform_4(%arg0: i32) -> (i32, i32) {
    %c0_i32 = arith.constant 0 : i32
    %c0_i32_0 = arith.constant 0 : i32
    return %arg0, %c0_i32 : i32, i32
  }
  func.func @transform_5(%arg0: i32) -> (i32, i32) {
    %c0_i32 = arith.constant 0 : i32
    %c0_i32_0 = arith.constant 0 : i32
    return %arg0, %c0_i32 : i32, i32
  }
}

module attributes {stable_mosaic.version = 14 : i64} {
  func.func @_edge_body(%arg0: i32, %arg1: memref<2000x128xf32, #tpu.memory_space<vmem>>, %arg2: memref<2000x128xf32, #tpu.memory_space<vmem>>, %arg3: memref<2000x128xf32, #tpu.memory_space<vmem>>, %arg4: memref<2000x128xf32, #tpu.memory_space<vmem>>, %arg5: memref<128x128xf32, #tpu.memory_space<vmem>>, %arg6: memref<1x128xf32, #tpu.memory_space<vmem>>, %arg7: memref<128x128xf32, #tpu.memory_space<vmem>>, %arg8: memref<128x128xf32, #tpu.memory_space<vmem>>, %arg9: memref<2000x128xf32, #tpu.memory_space<vmem>>, %arg10: memref<2000x128xf32, #tpu.memory_space<vmem>>, %arg11: memref<2000x128xf32, #tpu.memory_space<vmem>>) attributes {dimension_semantics = [#tpu.dimension_semantics<arbitrary>], iteration_bounds = array<i64: 160>, scalar_prefetch = 0 : i64, scratch_operands = 0 : i64, tpu.core_type = #tpu.core_type<tc>, window_params = [{transform_indices = @transform_0, window_bounds = array<i64: 2000, 128>}, {transform_indices = @transform_1, window_bounds = array<i64: 2000, 128>}, {transform_indices = @transform_2, window_bounds = array<i64: 2000, 128>}, {transform_indices = @transform_3, window_bounds = array<i64: 2000, 128>}, {pipeline_mode = #tpu.pipeline_mode<synchronous>, transform_indices = @transform_4, window_bounds = array<i64: 128, 128>}, {pipeline_mode = #tpu.pipeline_mode<synchronous>, transform_indices = @transform_5, window_bounds = array<i64: 1, 128>}, {pipeline_mode = #tpu.pipeline_mode<synchronous>, transform_indices = @transform_6, window_bounds = array<i64: 128, 128>}, {pipeline_mode = #tpu.pipeline_mode<synchronous>, transform_indices = @transform_7, window_bounds = array<i64: 128, 128>}, {transform_indices = @transform_8, window_bounds = array<i64: 2000, 128>}, {transform_indices = @transform_9, window_bounds = array<i64: 2000, 128>}, {transform_indices = @transform_10, window_bounds = array<i64: 2000, 128>}]} {
    %get3A = arith.constant 0 : index
    %get3A_0 = arith.constant 0 : index
    %get3A_1 = vector.load %arg1[%get3A, %get3A_0] : memref<2000x128xf32, #tpu.memory_space<vmem>>, vector<2000x128xf32>
    %get3A_2 = arith.constant 0 : index
    %get3A_3 = arith.constant 0 : index
    %get3A_4 = vector.load %arg5[%get3A_2, %get3A_3] : memref<128x128xf32, #tpu.memory_space<vmem>>, vector<128x128xf32>
    %dot_general3A = arith.constant dense<0.000000e+00> : vector<2000x128xf32>
    %dot_general3A_5 = tpu.matmul %get3A_1, %get3A_4, %dot_general3A {dimension_numbers = #tpu.dot_dimension_numbers<[1], [0], [0], [1], [0, 0, 1, 1], [], []>, transpose_lhs_hint = false} : vector<2000x128xf32>, vector<128x128xf32>, vector<2000x128xf32> -> vector<2000x128xf32>
    %get3A_6 = arith.constant 0 : index
    %get3A_7 = arith.constant 0 : index
    %get3A_8 = vector.load %arg6[%get3A_6, %get3A_7] : memref<1x128xf32, #tpu.memory_space<vmem>>, vector<1x128xf32>
    %add3A = vector.broadcast %get3A_8 : vector<1x128xf32> to vector<2000x128xf32>
    %add3A_9 = arith.addf %dot_general3A_5, %add3A : vector<2000x128xf32>
    %get3A_10 = arith.constant 0 : index
    %get3A_11 = arith.constant 0 : index
    %get3A_12 = vector.load %arg2[%get3A_10, %get3A_11] : memref<2000x128xf32, #tpu.memory_space<vmem>>, vector<2000x128xf32>
    %get3A_13 = arith.constant 0 : index
    %get3A_14 = arith.constant 0 : index
    %get3A_15 = vector.load %arg3[%get3A_13, %get3A_14] : memref<2000x128xf32, #tpu.memory_space<vmem>>, vector<2000x128xf32>
    %mul3A = arith.mulf %get3A_12, %get3A_15 : vector<2000x128xf32>
    %mul3A_16 = arith.mulf %mul3A, %add3A_9 : vector<2000x128xf32>
    %mul3A_17 = arith.constant 2.500000e-01 : f32
    %mul3A_18 = vector.broadcast %mul3A_17 : f32 to vector<2000x128xf32>
    %mul3A_19 = arith.mulf %mul3A_16, %mul3A_18 : vector<2000x128xf32>
    %swap3A = arith.constant 0 : index
    %swap3A_20 = arith.constant 0 : index
    %swap3A_21 = vector.load %arg9[%swap3A, %swap3A_20] : memref<2000x128xf32, #tpu.memory_space<vmem>>, vector<2000x128xf32>
    tpu.vector_store %arg9[%swap3A, %swap3A_20], %mul3A_19 {strides = array<i32>} : memref<2000x128xf32, #tpu.memory_space<vmem>>, vector<2000x128xf32>,
    %get3A_22 = arith.constant 0 : index
    %get3A_23 = arith.constant 0 : index
    %get3A_24 = vector.load %arg7[%get3A_22, %get3A_23] : memref<128x128xf32, #tpu.memory_space<vmem>>, vector<128x128xf32>
    %dot_general3A_25 = arith.constant dense<0.000000e+00> : vector<2000x128xf32>
    %dot_general3A_26 = tpu.matmul %mul3A_19, %get3A_24, %dot_general3A_25 {dimension_numbers = #tpu.dot_dimension_numbers<[1], [0], [0], [1], [0, 0, 1, 1], [], []>, precision = #tpu.contract_precision<fp32>, transpose_lhs_hint = false} : vector<2000x128xf32>, vector<128x128xf32>, vector<2000x128xf32> -> vector<2000x128xf32>
    %jit3A = arith.constant -5.000000e+00 : f32
    %jit3A_27 = arith.constant 5.000000e+00 : f32
    %max3A = vector.broadcast %jit3A : f32 to vector<2000x128xf32>
    %max3A_28 = arith.maximumf %max3A, %dot_general3A_26 : vector<2000x128xf32>
    %min3A = vector.broadcast %jit3A_27 : f32 to vector<2000x128xf32>
    %min3A_29 = arith.minimumf %min3A, %max3A_28 : vector<2000x128xf32>
    %exp3A = math.exp %min3A_29 : vector<2000x128xf32>
    %swap3A_30 = arith.constant 0 : index
    %swap3A_31 = arith.constant 0 : index
    %swap3A_32 = vector.load %arg11[%swap3A_30, %swap3A_31] : memref<2000x128xf32, #tpu.memory_space<vmem>>, vector<2000x128xf32>
    tpu.vector_store %arg11[%swap3A_30, %swap3A_31], %exp3A {strides = array<i32>} : memref<2000x128xf32, #tpu.memory_space<vmem>>, vector<2000x128xf32>,
    %get3A_33 = arith.constant 0 : index
    %get3A_34 = arith.constant 0 : index
    %get3A_35 = vector.load %arg8[%get3A_33, %get3A_34] : memref<128x128xf32, #tpu.memory_space<vmem>>, vector<128x128xf32>
    %dot_general3A_36 = arith.constant dense<0.000000e+00> : vector<2000x128xf32>
    %dot_general3A_37 = tpu.matmul %exp3A, %get3A_35, %dot_general3A_36 {dimension_numbers = #tpu.dot_dimension_numbers<[1], [0], [0], [1], [0, 0, 1, 1], [], []>, precision = #tpu.contract_precision<fp32>, transpose_lhs_hint = false} : vector<2000x128xf32>, vector<128x128xf32>, vector<2000x128xf32> -> vector<2000x128xf32>
    %get3A_38 = arith.constant 0 : index
    %get3A_39 = arith.constant 0 : index
    %get3A_40 = vector.load %arg4[%get3A_38, %get3A_39] : memref<2000x128xf32, #tpu.memory_space<vmem>>, vector<2000x128xf32>
    %mul3A_41 = arith.mulf %get3A_40, %dot_general3A_37 : vector<2000x128xf32>
    %swap3A_42 = arith.constant 0 : index
    %swap3A_43 = arith.constant 0 : index
    %swap3A_44 = vector.load %arg10[%swap3A_42, %swap3A_43] : memref<2000x128xf32, #tpu.memory_space<vmem>>, vector<2000x128xf32>
    tpu.vector_store %arg10[%swap3A_42, %swap3A_43], %mul3A_41 {strides = array<i32>} : memref<2000x128xf32, #tpu.memory_space<vmem>>, vector<2000x128xf32>,
    return
  }
  func.func @transform_0(%arg0: i32) -> (i32, i32) {
    %c0_i32 = arith.constant 0 : i32
    %c0_i32_0 = arith.constant 0 : i32
    return %arg0, %c0_i32 : i32, i32
  }
  func.func @transform_1(%arg0: i32) -> (i32, i32) {
    %c0_i32 = arith.constant 0 : i32
    %c0_i32_0 = arith.constant 0 : i32
    return %arg0, %c0_i32 : i32, i32
  }
  func.func @transform_2(%arg0: i32) -> (i32, i32) {
    %c0_i32 = arith.constant 0 : i32
    %c0_i32_0 = arith.constant 0 : i32
    return %arg0, %c0_i32 : i32, i32
  }
  func.func @transform_3(%arg0: i32) -> (i32, i32) {
    %c0_i32 = arith.constant 0 : i32
    %c0_i32_0 = arith.constant 0 : i32
    return %arg0, %c0_i32 : i32, i32
  }
  func.func @transform_4(%arg0: i32) -> (i32, i32) {
    %c0_i32 = arith.constant 0 : i32
    %c0_i32_0 = arith.constant 0 : i32
    %c0_i32_1 = arith.constant 0 : i32
    return %c0_i32, %c0_i32_0 : i32, i32
  }
  func.func @transform_5(%arg0: i32) -> (i32, i32) {
    %c0_i32 = arith.constant 0 : i32
    %c0_i32_0 = arith.constant 0 : i32
    %c0_i32_1 = arith.constant 0 : i32
    return %c0_i32, %c0_i32_0 : i32, i32
  }
  func.func @transform_6(%arg0: i32) -> (i32, i32) {
    %c0_i32 = arith.constant 0 : i32
    %c0_i32_0 = arith.constant 0 : i32
    %c0_i32_1 = arith.constant 0 : i32
    return %c0_i32, %c0_i32_0 : i32, i32
  }
  func.func @transform_7(%arg0: i32) -> (i32, i32) {
    %c0_i32 = arith.constant 0 : i32
    %c0_i32_0 = arith.constant 0 : i32
    %c0_i32_1 = arith.constant 0 : i32
    return %c0_i32, %c0_i32_0 : i32, i32
  }
  func.func @transform_8(%arg0: i32) -> (i32, i32) {
    %c0_i32 = arith.constant 0 : i32
    %c0_i32_0 = arith.constant 0 : i32
    return %arg0, %c0_i32 : i32, i32
  }
  func.func @transform_9(%arg0: i32) -> (i32, i32) {
    %c0_i32 = arith.constant 0 : i32
    %c0_i32_0 = arith.constant 0 : i32
    return %arg0, %c0_i32 : i32, i32
  }
  func.func @transform_10(%arg0: i32) -> (i32, i32) {
    %c0_i32 = arith.constant 0 : i32
    %c0_i32_0 = arith.constant 0 : i32
    return %arg0, %c0_i32 : i32, i32
  }
}

module attributes {stable_mosaic.version = 14 : i64} {
  func.func @_final_body(%arg0: i32, %arg1: memref<1024x128xf32, #tpu.memory_space<vmem>>, %arg2: memref<1024x128xf32, #tpu.memory_space<vmem>>, %arg3: memref<128x128xf32, #tpu.memory_space<vmem>>, %arg4: memref<1024x128xf32, #tpu.memory_space<vmem>>) attributes {dimension_semantics = [#tpu.dimension_semantics<arbitrary>], iteration_bounds = array<i64: 10>, scalar_prefetch = 0 : i64, scratch_operands = 0 : i64, tpu.core_type = #tpu.core_type<tc>, window_params = [{transform_indices = @transform_0, window_bounds = array<i64: 1024, 128>}, {transform_indices = @transform_1, window_bounds = array<i64: 1024, 128>}, {pipeline_mode = #tpu.pipeline_mode<synchronous>, transform_indices = @transform_2, window_bounds = array<i64: 128, 128>}, {transform_indices = @transform_3, window_bounds = array<i64: 1024, 128>}]} {
    %get3A = arith.constant 0 : index
    %get3A_0 = arith.constant 0 : index
    %get3A_1 = vector.load %arg2[%get3A, %get3A_0] : memref<1024x128xf32, #tpu.memory_space<vmem>>, vector<1024x128xf32>
    %get3A_2 = arith.constant 0 : index
    %get3A_3 = arith.constant 0 : index
    %get3A_4 = vector.load %arg3[%get3A_2, %get3A_3] : memref<128x128xf32, #tpu.memory_space<vmem>>, vector<128x128xf32>
    %dot_general3A = arith.constant dense<0.000000e+00> : vector<1024x128xf32>
    %dot_general3A_5 = tpu.matmul %get3A_1, %get3A_4, %dot_general3A {dimension_numbers = #tpu.dot_dimension_numbers<[1], [0], [0], [1], [0, 0, 1, 1], [], []>, precision = #tpu.contract_precision<fp32>, transpose_lhs_hint = false} : vector<1024x128xf32>, vector<128x128xf32>, vector<1024x128xf32> -> vector<1024x128xf32>
    %get3A_6 = arith.constant 0 : index
    %get3A_7 = arith.constant 0 : index
    %get3A_8 = vector.load %arg1[%get3A_6, %get3A_7] : memref<1024x128xf32, #tpu.memory_space<vmem>>, vector<1024x128xf32>
    %add3A = arith.constant 9.99999997E-7 : f32
    %add3A_9 = vector.broadcast %add3A : f32 to vector<1024x128xf32>
    %add3A_10 = arith.addf %dot_general3A_5, %add3A_9 : vector<1024x128xf32>
    %div3A = arith.divf %get3A_8, %add3A_10 : vector<1024x128xf32>
    %swap3A = arith.constant 0 : index
    %swap3A_11 = arith.constant 0 : index
    %swap3A_12 = vector.load %arg4[%swap3A, %swap3A_11] : memref<1024x128xf32, #tpu.memory_space<vmem>>, vector<1024x128xf32>
    tpu.vector_store %arg4[%swap3A, %swap3A_11], %div3A {strides = array<i32>} : memref<1024x128xf32, #tpu.memory_space<vmem>>, vector<1024x128xf32>,
    return
  }
  func.func @transform_0(%arg0: i32) -> (i32, i32) {
    %c0_i32 = arith.constant 0 : i32
    %c0_i32_0 = arith.constant 0 : i32
    return %arg0, %c0_i32 : i32, i32
  }
  func.func @transform_1(%arg0: i32) -> (i32, i32) {
    %c0_i32 = arith.constant 0 : i32
    %c0_i32_0 = arith.constant 0 : i32
    return %arg0, %c0_i32 : i32, i32
  }
  func.func @transform_2(%arg0: i32) -> (i32, i32) {
    %c0_i32 = arith.constant 0 : i32
    %c0_i32_0 = arith.constant 0 : i32
    %c0_i32_1 = arith.constant 0 : i32
    return %c0_i32, %c0_i32_0 : i32, i32
  }
  func.func @transform_3(%arg0: i32) -> (i32, i32) {
    %c0_i32 = arith.constant 0 : i32
    %c0_i32_0 = arith.constant 0 : i32
    return %arg0, %c0_i32 : i32, i32
  }
}

</mosaic_0001>

<sc_bundles>
// kernel: kernel.10.cloned.1.call-start
scs
__scs_entry_jumppad:
0x0: {  	(pc) =	sbr.rel $0x88, $3  }
0x1: {  	(tag) =	ssettag $0x0;
	lr =	simm.s32 $0x1  }
0x2: {  	[smem:$0x3F96] =	sst lr;
	_ =	strace $0xD0000000  }
0x3: {  	_ = 	snop  }
0x4: {  	_ = 	snop  }
0x5: {  	_ = 	snop  }
0x6: {  	_ = 	snop  }
0x7: {  	_ = 	snop  }
__scs_overlays_trampoline_lowered:
0x8: {  	[smem:$0x3FA5] =	sst s0  }
0x9: {  	[smem:$0x3FA6] =	sst s1  }
0xa: {  	[smem:$0x3FA7] =	sst s2  }
0xb: {  	[smem:$0x3FA8] =	sst s3  }
0xc: {  	[smem:$0x3FA9] =	sst s4  }
0xd: {  	[smem:$0x3FAA] =	sst s5  }
0xe: {  	[smem:$0x3FAB] =	sst s6  }
0xf: {  	[smem:$0x3FAC] =	sst s7  }
0x10: {  	[smem:$0x3FAD] =	sst s8  }
0x11: {  	[smem:$0x3FAE] =	sst s9;
	s0 =	simm.s32 @!p0 $0x0  }
0x12: {  	s1 =	sld [smem:$0x3F94];
	s0 =	simm.s32 @p0 $0x1  }
0x13: {  	[smem:$0x3FAF] =	sst s0;
	s0 =	simm.s32 @!p1 $0x0  }
0x14: {  	s2 =	sld [smem:$0x3F93];
	s0 =	simm.s32 @p1 $0x1  }
0x15: {  	[smem:$0x3FB0] =	sst s0;
	s0 =	simm.s32 @!p2 $0x0  }
0x16: {  	s3 =	sld [smem:$0x3FDB];
	s0 =	simm.s32 @p2 $0x1  }
0x17: {  	s4 =	simm.s32 $0x1BF5;
	[smem:$0x3FB2] =	sst s0  }
0x18: {  	s0 =	sld [smem:$0x3F95];
	_ =	swait.ge [sflag:s4], $0x0  }
0x19: {  	s7 =	sld [smem:$0x3F96]  }
0x1a: {  	s8 =	sadd.s32 $0xFFFFE003, lr  }
0x1b: {  	s9 =	sadd.s32 $0xFFFFFEF7, lr;
	s5 =	simm.s32 $0xFFFFFFFF;
	p2 =	slt.u32 s8, $0xFFFFF086  }
0x1c: {  	p1 =	slt.u32 s9, $0xF7A;
	s5 =	simm.s32 @!p2 $0x0  }
0x1d: {  	s5 =	simm.s32 @p1 $0x1;
	p0 =	seq.s32 s7, s2  }
0x1e: {  	s7 =	smul.u32 @!p0 $0xF7A, s2;
	p2 =	seq.s32 @!p0 s5, $0x0  }
0x1f: {  	s9 =	smul.u32 $0xF7A, s1;
	s8 =	simm.s32 @!p0 $0x1BF5;
	p2 =	por !p2, p0  }
0x20: {  	[sflag:s8] =	ssyncset.s32 @!p0 $0xFFFFF086;
	s6 =	sadd.s32 @!p0 s3, s7;
	s7 =	simm.s32 @!p0 $0x108  }
0x21: {  	s3 =	sadd.s32 s3, s9;
	s6 =	sadd.s32 @!p0 $0x88, s6;
	s7 =	simm.s32 @p2 $0x1082  }
0x22: {  	[simem:s7], [sflag:s8] =	dma.local @!p0 [hbm:s6], $0xF7A  }
0x23: {  	s9 =	sor.u32 $0xD0000000, s2;
	s6 =	simm.s32 $0x108;
	_ =	swait.ge @!p0 [sflag:s8], $0x0  }
0x24: {  	s3 =	sadd.s32 $0x88, s3;
	s6 =	simm.s32 @!p1 $0x1082;
	[sflag:s4] =	ssyncset.s32 $0xFFFFF086  }
0x25: {  	[simem:s6], [sflag:s4] =	dma.local [hbm:s3], $0xF7A  }
0x26: {  	[smem:$0x3F96] =	sst s1;
	(tag) =	ssettag s2;
	_ =	strace s9  }
0x27: {  	s1 =	sld [smem:$0x3FA6]  }
0x28: {  	s2 =	sld [smem:$0x3FA7]  }
0x29: {  	s4 =	sld [smem:$0x3FA9]  }
0x2a: {  	p0 =	seq.s32 s5, $0x0;
	s5 =	sld [smem:$0x3FAA]  }
0x2b: {  	s6 =	sld [smem:$0x3FAB]  }
0x2c: {  	s7 =	sld [smem:$0x3FAC]  }
0x2d: {  	s3 =	simm.s32 $0x108;
	s8 =	sld [smem:$0x3FAD]  }
0x2e: {  	s3 =	simm.s32 @!p0 $0x1082;
	s9 =	sld [smem:$0x3FAE]  }
0x2f: {  	lr =	sadd.s32 s0, s3;
	s0 =	sld [smem:$0x3FA5]  }
0x30: {  	s3 =	sld [smem:$0x3FA8]  }
0x31: {  	[smem:$0x3FB1] =	sst s10  }
0x32: {  	s10 =	sld [smem:$0x3FAF];
	_ =	sdelay $0x3  }
0x33: {  	p0 =	seq.s32 s10, $0x1;
	s10 =	sld [smem:$0x3FB1];
	_ =	sdelay $0x3  }
0x34: {  	[smem:$0x3FB1] =	sst s10  }
0x35: {  	s10 =	sld [smem:$0x3FB0];
	_ =	sdelay $0x3  }
0x36: {  	p1 =	seq.s32 s10, $0x1;
	s10 =	sld [smem:$0x3FB1];
	_ =	sdelay $0x3  }
0x37: {  	[smem:$0x3FB1] =	sst s10  }
0x38: {  	s10 =	sld [smem:$0x3FB2]  }
0x39: {  	_ = 	snop;
	(pc) =	sbr.ind lr, $3  }
0x3a: {  	_ = 	snop  }
0x3b: {  	_ = 	snop  }
0x3c: {  	p2 =	seq.s32 s10, $0x1;
	s10 =	sld [smem:$0x3FB1]  }
0x3d: {  	_ =	shalt  }
0x3e: {  	_ =	shalt  }
0x3f: {  	_ =	shalt  }
0x40: {  	_ =	shalt  }
0x41: {  	_ =	shalt  }
0x42: {  	_ =	shalt  }
0x43: {  	_ =	shalt  }
0x44: {  	_ =	shalt  }
0x45: {  	_ =	shalt  }
0x46: {  	_ =	shalt  }
0x47: {  	_ =	shalt  }
0x48: {  	_ =	shalt  }
0x49: {  	_ =	shalt  }
0x4a: {  	_ =	shalt  }
0x4b: {  	_ =	shalt  }
0x4c: {  	_ =	shalt  }
0x4d: {  	_ =	shalt  }
0x4e: {  	_ =	shalt  }
0x4f: {  	_ =	shalt  }
0x50: {  	_ =	shalt  }
0x51: {  	_ =	shalt  }
0x52: {  	_ =	shalt  }
0x53: {  	_ =	shalt  }
0x54: {  	_ =	shalt  }
0x55: {  	_ =	shalt  }
0x56: {  	_ =	shalt  }
0x57: {  	_ =	shalt  }
0x58: {  	_ =	shalt  }
0x59: {  	_ =	shalt  }
0x5a: {  	_ =	shalt  }
0x5b: {  	_ =	shalt  }
0x5c: {  	_ =	shalt  }
0x5d: {  	_ =	shalt  }
0x5e: {  	_ =	shalt  }
0x5f: {  	_ =	shalt  }
0x60: {  	_ =	shalt  }
0x61: {  	_ =	shalt  }
0x62: {  	_ =	shalt  }
0x63: {  	_ =	shalt  }
0x64: {  	_ =	shalt  }
0x65: {  	_ =	shalt  }
0x66: {  	_ =	shalt  }
0x67: {  	_ =	shalt  }
0x68: {  	_ =	shalt  }
0x69: {  	_ =	shalt  }
0x6a: {  	_ =	shalt  }
0x6b: {  	_ =	shalt  }
0x6c: {  	_ =	shalt  }
0x6d: {  	_ =	shalt  }
0x6e: {  	_ =	shalt  }
0x6f: {  	_ =	shalt  }
0x70: {  	_ =	shalt  }
0x71: {  	_ =	shalt  }
0x72: {  	_ =	shalt  }
0x73: {  	_ =	shalt  }
0x74: {  	_ =	shalt  }
0x75: {  	_ =	shalt  }
0x76: {  	_ =	shalt  }
0x77: {  	_ =	shalt  }
0x78: {  	_ =	shalt  }
0x79: {  	_ =	shalt  }
0x7a: {  	_ =	shalt  }
0x7b: {  	_ =	shalt  }
0x7c: {  	_ =	shalt  }
0x7d: {  	_ =	shalt  }
0x7e: {  	_ =	shalt  }
0x7f: {  	_ =	shalt  }
0x80: {  	_ =	shalt  }
0x81: {  	_ =	shalt  }
0x82: {  	_ =	shalt  }
0x83: {  	_ =	shalt  }
0x84: {  	_ =	shalt  }
0x85: {  	_ =	shalt  }
0x86: {  	_ =	shalt  }
0x87: {  	_ =	shalt  }
.Lfunc_end0:
.L_simem_size_0:
called_computation.1_lowered:
.L_overlay_start_0:
0x88: {  	s2 =	sld [smem:$0x3FD9]  }
0x89: {  	s3 =	sld [smem:$0x3FFE];
	_ =	sdelay $0x1  }
0x8a: {  	s1 =	srdreg.scid  }
0x8b: {  	s0 =	sand.u32 $0x1, s1  }
0x8c: {  	s14 =	sshll.u32 s0, $0xA;
	s2 =	sadd.s32 s3, s2  }
0x8d: {  	s2 =	sadd.s32 s2, s14  }
0x8e: {  	[smem:$0x3FBD] =	sst s2  }
0x8f: {  	_ = 	snop  }
0x90: {  	s2 =	sld [smem:$0x3FD0];
	_ =	sdelay $0x2  }
0x91: {  	s15 =	simm.s32 $0xA;
	s4 =	simm.s32 $0x10  }
0x92: {  	[smem:s4], [sflag:s15] =	dma.local [hbm:s2], $0x1  }
0x93: {  	_ =	swait.eq [sflag:s15], $0x1  }
0x94: {  	[sflag:s15] =	ssyncset.done $0x0  }
0x95: {  	[sflag:s15] =	ssyncadd.s32 $0xFFFFFFFF  }
0x96: {  	s16 =	sld [smem:$0x10];
	(tm) =	ssettm $0x1  }
0x97: {  	s17 =	sld [smem:$0x3FFB];
	_ =	sdelay $0x3  }
0x98: {  	_ =	strace s17  }
0x99: {  	s3 =	sld [smem:$0x3FFC];
	_ =	sdelay $0x3  }
0x9a: {  	_ =	strace s3  }
0x9b: {  	s3 =	sld [smem:$0x3FFD];
	_ =	sdelay $0x3  }
0x9c: {  	_ =	strace s3  }
0x9d: {  	_ =	strace $0x8FFFFFFF  }
0x9e: {  	s18 =	sld [smem:$0x3FDB];
	_ =	sdelay $0x1  }
0x9f: {  	s19 =	simm.s32 $_scs_section_size  }
0xa0: {  	s5 =	simm.s32 $_size__tile_overlayer_lowered;
	s6 =	simm.s32 $_tile_overlayer_lowered  }
0xa1: {  	s22 =	simm.s32 $0x1BFF;
	s21 =	sshll.u32 s6, $0x1;
	s3 =	sadd.s32 s19, s18  }
0xa2: {  	s7 =	simm.s32 $0x0;
	s20 =	sshll.u32 s5, $0x1;
	s5 =	sadd.s32 s21, s3  }
0xa3: {  	[timem:s7], [sflag:s22] =	dma.local [hbm:s5], s20  }
0xa4: {  	_ =	swait.ge [sflag:s22], s20  }
0xa5: {  	s4 =	ssub.s32 $0x0, s20;
	[sflag:s22] =	ssyncset.done $0x0  }
0xa6: {  	[sflag:s22] =	ssyncadd.s32 s4;
	_ =	sdelay $0x1  }
0xa7: {  	s23 =	simm.s32 $0x1B8B  }
0xa8: {  	_ =	swait.ge [sflag:s23], $0x1  }
0xa9: {  	[sflag:s23] =	ssyncset.done $0x0  }
0xaa: {  	s25 =	simm.s32 $0x1B8E;
	s24 =	sld [smem:$0x3FFE];
	[sflag:s23] =	ssyncadd.s32 $0xFFFFFFFF  }
0xab: {  	s26 =	simm.s32 $execute0_lowered;
	[smem:$0x3FD2] =	sst s25  }
0xac: {  	s5 =	sshll.u32 s26, $0x1;
	_ =	strace $0x80000049;
	[dreg:$0x1] =	wrdreg $0xFFFFFFFF  }
0xad: {  	s28 =	simm.s32 $_size_execute0_lowered;
	s3 =	sadd.s32 s3, s5;
	[dreg:$0x0] =	wrdreg $0x0  }
0xae: {  	s5 =	sshll.u32 s28, $0x1;
	[dreg:$0x2] =	wrdreg s3  }
0xaf: {  	[dreg:$0x3] =	wrdreg s5  }
0xb0: {  	[dreg:$0x4] =	wrdreg $0xC0  }
0xb1: {  	_ =	task [dreg:s7], $0x5FFFF  }
0xb2: {  	[dreg:$0x1] =	wrdreg $0xFFFFFFFF  }
0xb3: {  	[dreg:$0x0] =	wrdreg $0x60  }
0xb4: {  	[dreg:$0x2] =	wrdreg s24  }
0xb5: {  	[dreg:$0x3] =	wrdreg s16  }
0xb6: {  	[dreg:$0x4] =	wrdreg $0x0  }
0xb7: {  	[dreg:$0x5] =	wrdreg $0xA0000  }
0xb8: {  	[dreg:$0x6] =	wrdreg $0x9  }
0xb9: {  	_ =	task.clear_ibuf [dreg:s7], $0x7FFFF;
	_ =	strace $0x90000049  }
0xba: {  	s29 =	simm.s32 $0x9;
	_ =	strace $0x8000004B  }
0xbb: {  	_ =	swait.ge [sflag:s29], $0x1  }
0xbc: {  	[sflag:s29] =	ssyncadd.s32 $0xFFFFFFFF  }
0xbd: {  	_ =	strace $0x9000004B  }
0xbe: {  	_ =	sfence  }
0xbf: {  	s30 =	sld [smem:$0x0];
	_ =	sdelay $0x2  }
0xc0: {  	s31 =	sshll.u32 s1, $0xD;
	s1 =	sshrl.u32 s1, $0x2  }
0xc1: {  	s3 =	sand.u32 $0x4000, s31;
	s1 =	sadd.s32 s1, s30  }
0xc2: {  	s0 =	sor.u32 s3, s0;
	s1 =	sshll.u32 s1, $0x11  }
0xc3: {  	s0 =	sor.u32 s1, s0  }
0xc4: {  	s0 =	sadd.s32 $0x8F2B, s0  }
0xc5: {  	[sflag:s0] =	ssyncadd.remote.s32 $0x1  }
0xc6: {  	_ =	sfence.sel $0xFFFF  }
0xc7: {  	[dreg:$0x0] =	wrdreg $0xFFFFFFFF;
	(pc) =	sbr.abs _section_cstart, $3  }
0xc8: {  	[dreg:$0x1] =	wrdreg $0xFFFFFFFF  }
0xc9: {  	_ =	task.clear_ibuf [dreg:s7], $0x2FFFF;
	_ =	strace $0x9FFFFFFF  }
0xca: {  	(tm) =	ssettm $0x7FFFFFFF  }
0xcb: {  	_ =	shalt  }
tec
execute0_lowered:
.L_overlay_start_1:
0x0: {  	(tag) =	ssettag $0x1  }
0x1: {  	s6 =	rddreg [dreg:$0x0]  }
0x2: {  	s1 =	rddreg [dreg:$0x1]  }
0x3: {  	s2 =	srdreg.scid;
	s3 =	rddreg [dreg:$0x2]  }
0x4: {  	s0 =	stileid.u32;
	s4 =	rddreg [dreg:$0x3]  }
0x5: {  	s5 =	simm.s32 $0x0;
	s16 =	simm.s32 $0x14000;
	s8 =	smul.u32 $0x4E20, s0  }
0x6: {  	s17 =	simm.s32 $0x14400;
	s18 =	simm.s32 $0x16C00;
	s10 =	smul.u32 $0x4E200, s0  }
0x7: {  	s19 =	simm.s32 $0x50;
	s20 =	simm.s32 $0x0;
	s11 =	smul.u32 $0x140, s0  }
0x8: {  	s7 =	sand.u32 $0x1, s2;
	s2 =	rddreg [dreg:$0x4];
	s28 =	smul.u32 $0xA000, s0  }
0x9: {  	[smem:$0x7FF] =	sst s5;
	s30 =	sshll.u32 s0, $0x6;
	s9 =	smul.u32 $0x4E200, s7  }
0xa: {  	s25 =	smul.u32 $0x1400, s7;
	_ =	strace $0x8000004A;
	s7 =	ssub.s32 $0x2, s7  }
0xb: {  	s13 =	sadd.s32 s10, s6;
	s29 =	sshrl.u32 s7, $0x1;
	s14 =	sadd.s32 s28, s3  }
0xc: {  	s15 =	sadd.s32 s28, s4;
	s8 =	sadd.s32 s8, s9;
	s26 =	sadd.s32 s11, s25  }
0xd: {  	s31 =	ssub.s32 s7, s29;
	s10 =	sadd.s32 $0xF1EA00, s13;
	s11 =	sadd.s32 $0x1400A00, s13  }
0xe: {  	s13 =	sshrl.u32 s14, $0x3;
	s14 =	simm.s32 $0x1;
	s8 =	sshrl.u32 s8, $0x3  }
0xf: {  	s15 =	sshrl.u32 s15, $0x3;
	s12 =	sadd.s32 s8, s6;
	s8 =	sshll.u32 s26, $0x4  }
0x10: {  	s9 =	smax.u32 s31, $0x1;
	s8 =	sadd.s32 s8, s6;
	s6 =	sor.u32 $0x1C01, s30  }
0x11: {  	s12 =	sadd.s32 $0xA29000, s12;
	s7 =	sadd.s32 $0x2800, s8;
	s8 =	sadd.s32 $0x2A800, s8  }
.LBB2_1:
0x12: {  	[spmem:s13], [sflag:s6] =	dma.local [hbm:s1], $0x1400  }
0x13: {  	_ =	swait.ge [sflag:s14], $0x1400  }
0x14: {  	[sflag:s14] =	ssyncset.done $0x0  }
0x15: {  	[sflag:s14] =	ssyncadd.s32 $0xFFFFEC00  }
0x16: {  	[spmem:s15], [sflag:s6] =	dma.local [hbm:s1], $0x1400  }
0x17: {  	_ =	swait.ge [sflag:s14], $0x1400  }
0x18: {  	[sflag:s14] =	ssyncset.done $0x0  }
0x19: {  	[sflag:s14] =	ssyncadd.s32 $0xFFFFEC00  }
0x1a: {  	[bflag:$0x0] =	sbarrier.arrive $0xFFFF  }
0x1b: {  	[tilespmem:s16], [sflag:$0x1] =	stream.linear.gather [hbm4b:s12+s5], $0x50, $0x38;
	[tilespmem:$0x19400] =	vst v63  }
0x1c: {  	_ =	swait.ge [sflag:s14], $0x50  }
0x1d: {  	[sflag:s14] =	ssyncset.done $0x0  }
0x1e: {  	s21 =	sadd.s32 $0x0, s10;
	[sflag:s14] =	ssyncadd.s32 $0xFFFFFFB0  }
0x1f: {  	[tilespmem:s17], [sflag:$0x1] =	stream.linear.gather [hbm4b:s21+s5], $0x2800, $0x38;
	[tilespmem:$0x19400] =	vst v63  }
0x20: {  	_ =	swait.ge [sflag:s14], $0x2800  }
0x21: {  	[sflag:s14] =	ssyncset.done $0x0  }
0x22: {  	s31 =	sadd.s32 $0x0, s11;
	[sflag:s14] =	ssyncadd.s32 $0xFFFFD800  }
0x23: {  	[tilespmem:s18], [sflag:$0x1] =	stream.linear.gather [hbm4b:s31+s5], $0x2800, $0x38;
	[tilespmem:$0x19400] =	vst v63  }
0x24: {  	_ =	swait.ge [sflag:s14], $0x2800  }
0x25: {  	[sflag:s14] =	ssyncset.done $0x0  }
0x26: {  	[sflag:s14] =	ssyncadd.s32 $0xFFFFD800  }
0x27: {  	[spmem:s3] =	stream.indirect.scatter.add.f32 [tilespmem:s17], [sflag:$0x1], $0x80, s16, s19, $0xb8;
	[tilespmem:$0x19400] =	vst v63  }
0x28: {  	_ =	swait.ge [sflag:s14], $0x2800  }
0x29: {  	[sflag:s14] =	ssyncset.done $0x0  }
0x2a: {  	[sflag:s14] =	ssyncadd.s32 $0xFFFFD800  }
0x2b: {  	[spmem:s4] =	stream.indirect.scatter.add.f32 [tilespmem:s18], [sflag:$0x1], $0x80, s16, s19, $0xb8;
	[tilespmem:$0x19400] =	vst v63  }
0x2c: {  	_ =	swait.ge [sflag:s14], $0x2800  }
0x2d: {  	s22 =	smov.u32 s12;
	s21 =	simm.s32 $0x500;
	[sflag:s14] =	ssyncset.done $0x0  }
.LBB2_2:
0x2e: {  	p0 =	sne.s32 s21, $0x4DD00;
	[sflag:s14] =	ssyncadd.s32 $0xFFFFD800;
	s22 =	sadd.s32 $0xA, s22  }
0x2f: {  	[tilespmem:s16], [sflag:$0x1] =	stream.linear.gather [hbm4b:s22+s5], $0x50, $0x38;
	[tilespmem:$0x19400] =	vst v63  }
0x30: {  	s23 =	smov.u32 s21;
	s21 =	sadd.s32 $0x500, s21;
	_ =	swait.ge [sflag:s14], $0x50  }
0x31: {  	[sflag:s14] =	ssyncset.done $0x0  }
0x32: {  	s24 =	sadd.s32 s23, s10;
	[sflag:s14] =	ssyncadd.s32 $0xFFFFFFB0  }
0x33: {  	[tilespmem:s17], [sflag:$0x1] =	stream.linear.gather [hbm4b:s24+s5], $0x2800, $0x38;
	[tilespmem:$0x19400] =	vst v63  }
0x34: {  	_ =	swait.ge [sflag:s14], $0x2800  }
0x35: {  	[sflag:s14] =	ssyncset.done $0x0  }
0x36: {  	s23 =	sadd.s32 s23, s11;
	[sflag:s14] =	ssyncadd.s32 $0xFFFFD800  }
0x37: {  	[tilespmem:s18], [sflag:$0x1] =	stream.linear.gather [hbm4b:s23+s5], $0x2800, $0x38;
	[tilespmem:$0x19400] =	vst v63  }
0x38: {  	_ =	swait.ge [sflag:s14], $0x2800  }
0x39: {  	[sflag:s14] =	ssyncset.done $0x0  }
0x3a: {  	[sflag:s14] =	ssyncadd.s32 $0xFFFFD800  }
0x3b: {  	[spmem:s3] =	stream.indirect.scatter.add.f32 [tilespmem:s17], [sflag:$0x1], $0x80, s16, s19, $0xb8;
	[tilespmem:$0x19400] =	vst v63  }
0x3c: {  	_ =	swait.ge [sflag:s14], $0x2800  }
.Ltmp0:
0x3d: {  	[sflag:s14] =	ssyncset.done $0x0;
	(pc) =	sbr.rel @p0 .LBB2_2-.Ltmp0, $4  }
0x3e: {  	[sflag:s14] =	ssyncadd.s32 $0xFFFFD800  }
0x3f: {  	[spmem:s4] =	stream.indirect.scatter.add.f32 [tilespmem:s18], [sflag:$0x1], $0x80, s16, s19, $0xb8;
	[tilespmem:$0x19400] =	vst v63  }
0x40: {  	_ =	swait.ge [sflag:s14], $0x2800  }
0x41: {  	[sflag:s14] =	ssyncset.done $0x0  }
0x42: {  	[sflag:s14] =	ssyncadd.s32 $0xFFFFD800  }
0x43: {  	[bflag:$0x0] =	sbarrier.arrive $0xFFFF  }
0x44: {  	[hbm:s7], [sflag:s6] =	dma.local [spmem:s13], $0x1400  }
0x45: {  	s20 =	sadd.s32 $0x1, s20;
	_ =	swait.ge [sflag:s14], $0x1400  }
0x46: {  	p0 =	sne.s32 s20, s9;
	[sflag:s14] =	ssyncset.done $0x0  }
.Ltmp1:
0x47: {  	[sflag:s14] =	ssyncadd.s32 $0xFFFFEC00;
	(pc) =	sbr.rel @p0 .LBB2_1-.Ltmp1, $4  }
0x48: {  	[hbm:s8], [sflag:s6] =	dma.local [spmem:s15], $0x1400  }
0x49: {  	_ =	swait.ge [sflag:s14], $0x1400  }
0x4a: {  	[sflag:s14] =	ssyncset.done $0x0  }
0x4b: {  	[sflag:s14] =	ssyncadd.s32 $0xFFFFEC00  }
0x4c: {  	_ =	sfence.sel $0x180000  }
0x4d: {  	[bflag:$0x0] =	sbarrier.arrive $0xFFFF  }
0x4e: {  	p0 =	sne.s32 s0, $0x0;
	_ =	strace $0x9000004A  }
0x4f: {  	s0 =	sadd.s32 @!p0 $0x100000, s2;
	[bflag:$0x2] =	sbarrier.arrive $0xFFFF  }
0x50: {  	[sflag:s0] =	ssyncadd.tile.s32 @!p0 $0x1;
	_ =	shalt  }
.Lfunc_end2:
_tile_overlayer_lowered:
.L_overlay_start_2:
0x51: {  	(tag) =	ssettag $0x2  }
0x52: {  	s0 =	rddreg [dreg:$0x0];
	s2 =	stileid.u32  }
0x53: {  	s1 =	rddreg [dreg:$0x1];
	p0 =	sne.s32 s2, $0x0  }
0x54: {  	s3 =	rddreg [dreg:$0x2];
	[bflag:$0x3] =	sbarrier.arrive $0xFFFF;
	s2 =	simm.s32 @!p0 $0x1C01  }
0x55: {  	[timem:s3], [sflag:s2] =	dma.local @!p0 [hbm:s0], s1  }
0x56: {  	s0 =	simm.s32 @!p0 $0x1  }
0x57: {  	_ =	swait.ge @!p0 [sflag:s0], s1  }
0x58: {  	s1 =	ssub.s32 @!p0 $0x0, s1;
	[sflag:s0] =	ssyncset.done @!p0 $0x0  }
0x59: {  	[sflag:s0] =	ssyncadd.s32 @!p0 s1  }
0x5a: {  	[bflag:$0x3] =	sbarrier.arrive $0xFFFF  }
0x5b: {  	_ =	shalt  }

// kernel: kernel.7.cloned.1.call-start
scs
__scs_entry_jumppad:
0x0: {  	(pc) =	sbr.rel $0x88, $3  }
0x1: {  	(tag) =	ssettag $0x0;
	lr =	simm.s32 $0x1  }
0x2: {  	[smem:$0x3F96] =	sst lr;
	_ =	strace $0xD0000000  }
0x3: {  	_ = 	snop  }
0x4: {  	_ = 	snop  }
0x5: {  	_ = 	snop  }
0x6: {  	_ = 	snop  }
0x7: {  	_ = 	snop  }
__scs_overlays_trampoline_lowered:
0x8: {  	[smem:$0x3FA5] =	sst s0  }
0x9: {  	[smem:$0x3FA6] =	sst s1  }
0xa: {  	[smem:$0x3FA7] =	sst s2  }
0xb: {  	[smem:$0x3FA8] =	sst s3  }
0xc: {  	[smem:$0x3FA9] =	sst s4  }
0xd: {  	[smem:$0x3FAA] =	sst s5  }
0xe: {  	[smem:$0x3FAB] =	sst s6  }
0xf: {  	[smem:$0x3FAC] =	sst s7  }
0x10: {  	[smem:$0x3FAD] =	sst s8  }
0x11: {  	[smem:$0x3FAE] =	sst s9;
	s0 =	simm.s32 @!p0 $0x0  }
0x12: {  	s1 =	sld [smem:$0x3F94];
	s0 =	simm.s32 @p0 $0x1  }
0x13: {  	[smem:$0x3FAF] =	sst s0;
	s0 =	simm.s32 @!p1 $0x0  }
0x14: {  	s2 =	sld [smem:$0x3F93];
	s0 =	simm.s32 @p1 $0x1  }
0x15: {  	[smem:$0x3FB0] =	sst s0;
	s0 =	simm.s32 @!p2 $0x0  }
0x16: {  	s3 =	sld [smem:$0x3FDB];
	s0 =	simm.s32 @p2 $0x1  }
0x17: {  	s4 =	simm.s32 $0x1BF5;
	[smem:$0x3FB2] =	sst s0  }
0x18: {  	s0 =	sld [smem:$0x3F95];
	_ =	swait.ge [sflag:s4], $0x0  }
0x19: {  	s7 =	sld [smem:$0x3F96]  }
0x1a: {  	s8 =	sadd.s32 $0xFFFFE003, lr  }
0x1b: {  	s9 =	sadd.s32 $0xFFFFFEF7, lr;
	s5 =	simm.s32 $0xFFFFFFFF;
	p2 =	slt.u32 s8, $0xFFFFF086  }
0x1c: {  	p1 =	slt.u32 s9, $0xF7A;
	s5 =	simm.s32 @!p2 $0x0  }
0x1d: {  	s5 =	simm.s32 @p1 $0x1;
	p0 =	seq.s32 s7, s2  }
0x1e: {  	s7 =	smul.u32 @!p0 $0xF7A, s2;
	p2 =	seq.s32 @!p0 s5, $0x0  }
0x1f: {  	s9 =	smul.u32 $0xF7A, s1;
	s8 =	simm.s32 @!p0 $0x1BF5;
	p2 =	por !p2, p0  }
0x20: {  	[sflag:s8] =	ssyncset.s32 @!p0 $0xFFFFF086;
	s6 =	sadd.s32 @!p0 s3, s7;
	s7 =	simm.s32 @!p0 $0x108  }
0x21: {  	s3 =	sadd.s32 s3, s9;
	s6 =	sadd.s32 @!p0 $0x88, s6;
	s7 =	simm.s32 @p2 $0x1082  }
0x22: {  	[simem:s7], [sflag:s8] =	dma.local @!p0 [hbm:s6], $0xF7A  }
0x23: {  	s9 =	sor.u32 $0xD0000000, s2;
	s6 =	simm.s32 $0x108;
	_ =	swait.ge @!p0 [sflag:s8], $0x0  }
0x24: {  	s3 =	sadd.s32 $0x88, s3;
	s6 =	simm.s32 @!p1 $0x1082;
	[sflag:s4] =	ssyncset.s32 $0xFFFFF086  }
0x25: {  	[simem:s6], [sflag:s4] =	dma.local [hbm:s3], $0xF7A  }
0x26: {  	[smem:$0x3F96] =	sst s1;
	(tag) =	ssettag s2;
	_ =	strace s9  }
0x27: {  	s1 =	sld [smem:$0x3FA6]  }
0x28: {  	s2 =	sld [smem:$0x3FA7]  }
0x29: {  	s4 =	sld [smem:$0x3FA9]  }
0x2a: {  	p0 =	seq.s32 s5, $0x0;
	s5 =	sld [smem:$0x3FAA]  }
0x2b: {  	s6 =	sld [smem:$0x3FAB]  }
0x2c: {  	s7 =	sld [smem:$0x3FAC]  }
0x2d: {  	s3 =	simm.s32 $0x108;
	s8 =	sld [smem:$0x3FAD]  }
0x2e: {  	s3 =	simm.s32 @!p0 $0x1082;
	s9 =	sld [smem:$0x3FAE]  }
0x2f: {  	lr =	sadd.s32 s0, s3;
	s0 =	sld [smem:$0x3FA5]  }
0x30: {  	s3 =	sld [smem:$0x3FA8]  }
0x31: {  	[smem:$0x3FB1] =	sst s10  }
0x32: {  	s10 =	sld [smem:$0x3FAF];
	_ =	sdelay $0x3  }
0x33: {  	p0 =	seq.s32 s10, $0x1;
	s10 =	sld [smem:$0x3FB1];
	_ =	sdelay $0x3  }
0x34: {  	[smem:$0x3FB1] =	sst s10  }
0x35: {  	s10 =	sld [smem:$0x3FB0];
	_ =	sdelay $0x3  }
0x36: {  	p1 =	seq.s32 s10, $0x1;
	s10 =	sld [smem:$0x3FB1];
	_ =	sdelay $0x3  }
0x37: {  	[smem:$0x3FB1] =	sst s10  }
0x38: {  	s10 =	sld [smem:$0x3FB2]  }
0x39: {  	_ = 	snop;
	(pc) =	sbr.ind lr, $3  }
0x3a: {  	_ = 	snop  }
0x3b: {  	_ = 	snop  }
0x3c: {  	p2 =	seq.s32 s10, $0x1;
	s10 =	sld [smem:$0x3FB1]  }
0x3d: {  	_ =	shalt  }
0x3e: {  	_ =	shalt  }
0x3f: {  	_ =	shalt  }
0x40: {  	_ =	shalt  }
0x41: {  	_ =	shalt  }
0x42: {  	_ =	shalt  }
0x43: {  	_ =	shalt  }
0x44: {  	_ =	shalt  }
0x45: {  	_ =	shalt  }
0x46: {  	_ =	shalt  }
0x47: {  	_ =	shalt  }
0x48: {  	_ =	shalt  }
0x49: {  	_ =	shalt  }
0x4a: {  	_ =	shalt  }
0x4b: {  	_ =	shalt  }
0x4c: {  	_ =	shalt  }
0x4d: {  	_ =	shalt  }
0x4e: {  	_ =	shalt  }
0x4f: {  	_ =	shalt  }
0x50: {  	_ =	shalt  }
0x51: {  	_ =	shalt  }
0x52: {  	_ =	shalt  }
0x53: {  	_ =	shalt  }
0x54: {  	_ =	shalt  }
0x55: {  	_ =	shalt  }
0x56: {  	_ =	shalt  }
0x57: {  	_ =	shalt  }
0x58: {  	_ =	shalt  }
0x59: {  	_ =	shalt  }
0x5a: {  	_ =	shalt  }
0x5b: {  	_ =	shalt  }
0x5c: {  	_ =	shalt  }
0x5d: {  	_ =	shalt  }
0x5e: {  	_ =	shalt  }
0x5f: {  	_ =	shalt  }
0x60: {  	_ =	shalt  }
0x61: {  	_ =	shalt  }
0x62: {  	_ =	shalt  }
0x63: {  	_ =	shalt  }
0x64: {  	_ =	shalt  }
0x65: {  	_ =	shalt  }
0x66: {  	_ =	shalt  }
0x67: {  	_ =	shalt  }
0x68: {  	_ =	shalt  }
0x69: {  	_ =	shalt  }
0x6a: {  	_ =	shalt  }
0x6b: {  	_ =	shalt  }
0x6c: {  	_ =	shalt  }
0x6d: {  	_ =	shalt  }
0x6e: {  	_ =	shalt  }
0x6f: {  	_ =	shalt  }
0x70: {  	_ =	shalt  }
0x71: {  	_ =	shalt  }
0x72: {  	_ =	shalt  }
0x73: {  	_ =	shalt  }
0x74: {  	_ =	shalt  }
0x75: {  	_ =	shalt  }
0x76: {  	_ =	shalt  }
0x77: {  	_ =	shalt  }
0x78: {  	_ =	shalt  }
0x79: {  	_ =	shalt  }
0x7a: {  	_ =	shalt  }
0x7b: {  	_ =	shalt  }
0x7c: {  	_ =	shalt  }
0x7d: {  	_ =	shalt  }
0x7e: {  	_ =	shalt  }
0x7f: {  	_ =	shalt  }
0x80: {  	_ =	shalt  }
0x81: {  	_ =	shalt  }
0x82: {  	_ =	shalt  }
0x83: {  	_ =	shalt  }
0x84: {  	_ =	shalt  }
0x85: {  	_ =	shalt  }
0x86: {  	_ =	shalt  }
0x87: {  	_ =	shalt  }
.Lfunc_end0:
.L_simem_size_0:
called_computation_lowered:
.L_overlay_start_0:
0x88: {  	s2 =	sld [smem:$0x3FD9]  }
0x89: {  	s3 =	sld [smem:$0x3FFE];
	_ =	sdelay $0x1  }
0x8a: {  	s1 =	srdreg.scid  }
0x8b: {  	s0 =	sand.u32 $0x1, s1  }
0x8c: {  	s14 =	sshll.u32 s0, $0xA;
	s2 =	sadd.s32 s3, s2  }
0x8d: {  	s2 =	sadd.s32 s2, s14  }
0x8e: {  	[smem:$0x3FBD] =	sst s2  }
0x8f: {  	_ = 	snop  }
0x90: {  	s2 =	sld [smem:$0x3FD0];
	_ =	sdelay $0x2  }
0x91: {  	s15 =	simm.s32 $0xA;
	s4 =	simm.s32 $0x10  }
0x92: {  	[smem:s4], [sflag:s15] =	dma.local [hbm:s2], $0x1  }
0x93: {  	_ =	swait.eq [sflag:s15], $0x1  }
0x94: {  	[sflag:s15] =	ssyncset.done $0x0  }
0x95: {  	s16 =	sld [smem:$0x10];
	[sflag:s15] =	ssyncadd.s32 $0xFFFFFFFF  }
0x96: {  	s17 =	sld [smem:$0x11];
	(tm) =	ssettm $0x1  }
0x97: {  	s18 =	sld [smem:$0x3FFB];
	_ =	sdelay $0x3  }
0x98: {  	_ =	strace s18  }
0x99: {  	s4 =	sld [smem:$0x3FFC];
	_ =	sdelay $0x3  }
0x9a: {  	_ =	strace s4  }
0x9b: {  	s4 =	sld [smem:$0x3FFD];
	_ =	sdelay $0x3  }
0x9c: {  	_ =	strace s4  }
0x9d: {  	_ =	strace $0x8FFFFFFF  }
0x9e: {  	s19 =	sld [smem:$0x3FDB];
	_ =	sdelay $0x1  }
0x9f: {  	s5 =	simm.s32 $_scs_section_size  }
0xa0: {  	s6 =	simm.s32 $_size__tile_overlayer_lowered;
	s7 =	simm.s32 $_tile_overlayer_lowered  }
0xa1: {  	s22 =	simm.s32 $0x1BFF;
	s21 =	sshll.u32 s7, $0x1;
	s4 =	sadd.s32 s5, s19  }
0xa2: {  	s8 =	simm.s32 $0x0;
	s20 =	sshll.u32 s6, $0x1;
	s6 =	sadd.s32 s21, s4  }
0xa3: {  	[timem:s8], [sflag:s22] =	dma.local [hbm:s6], s20  }
0xa4: {  	_ =	swait.ge [sflag:s22], s20  }
0xa5: {  	s5 =	ssub.s32 $0x0, s20;
	[sflag:s22] =	ssyncset.done $0x0  }
0xa6: {  	[sflag:s22] =	ssyncadd.s32 s5;
	_ =	sdelay $0x1  }
0xa7: {  	s23 =	simm.s32 $0x1B8B  }
0xa8: {  	_ =	swait.ge [sflag:s23], $0x1  }
0xa9: {  	[sflag:s23] =	ssyncset.done $0x0  }
0xaa: {  	s25 =	simm.s32 $0x1B8E;
	s24 =	sld [smem:$0x3FFE];
	[sflag:s23] =	ssyncadd.s32 $0xFFFFFFFF  }
0xab: {  	s26 =	simm.s32 $execute0_lowered;
	[smem:$0x3FD2] =	sst s25  }
0xac: {  	s6 =	sshll.u32 s26, $0x1;
	_ =	strace $0x80000046;
	[dreg:$0x1] =	wrdreg $0xFFFFFFFF  }
0xad: {  	s28 =	simm.s32 $_size_execute0_lowered;
	s4 =	sadd.s32 s4, s6;
	[dreg:$0x0] =	wrdreg $0x0  }
0xae: {  	s6 =	sshll.u32 s28, $0x1;
	[dreg:$0x2] =	wrdreg s4  }
0xaf: {  	[dreg:$0x3] =	wrdreg s6  }
0xb0: {  	[dreg:$0x4] =	wrdreg $0xC0  }
0xb1: {  	_ =	task [dreg:s8], $0x5FFFF  }
0xb2: {  	[dreg:$0x1] =	wrdreg $0xFFFFFFFF  }
0xb3: {  	[dreg:$0x0] =	wrdreg $0x60  }
0xb4: {  	[dreg:$0x2] =	wrdreg s24  }
0xb5: {  	[dreg:$0x3] =	wrdreg s16  }
0xb6: {  	[dreg:$0x4] =	wrdreg s17  }
0xb7: {  	[dreg:$0x5] =	wrdreg $0x9  }
0xb8: {  	_ =	task.clear_ibuf [dreg:s8], $0x6FFFF;
	_ =	strace $0x90000046  }
0xb9: {  	s29 =	simm.s32 $0x9;
	_ =	strace $0x80000048  }
0xba: {  	_ =	swait.ge [sflag:s29], $0x1  }
0xbb: {  	[sflag:s29] =	ssyncadd.s32 $0xFFFFFFFF  }
0xbc: {  	_ =	strace $0x90000048  }
0xbd: {  	_ =	sfence  }
0xbe: {  	s30 =	sld [smem:$0x0];
	_ =	sdelay $0x2  }
0xbf: {  	s31 =	sshll.u32 s1, $0xD;
	s1 =	sshrl.u32 s1, $0x2  }
0xc0: {  	s3 =	sand.u32 $0x4000, s31;
	s1 =	sadd.s32 s1, s30  }
0xc1: {  	s0 =	sor.u32 s3, s0;
	s1 =	sshll.u32 s1, $0x11  }
0xc2: {  	s0 =	sor.u32 s1, s0  }
0xc3: {  	s0 =	sadd.s32 $0x8F2B, s0  }
0xc4: {  	[sflag:s0] =	ssyncadd.remote.s32 $0x1  }
0xc5: {  	_ =	sfence.sel $0xFFFF  }
0xc6: {  	[dreg:$0x0] =	wrdreg $0xFFFFFFFF;
	(pc) =	sbr.abs _section_cstart, $3  }
0xc7: {  	[dreg:$0x1] =	wrdreg $0xFFFFFFFF  }
0xc8: {  	_ =	task.clear_ibuf [dreg:s8], $0x2FFFF;
	_ =	strace $0x9FFFFFFF  }
0xc9: {  	(tm) =	ssettm $0x7FFFFFFF  }
tec
execute0_lowered:
.L_overlay_start_1:
0x0: {  	(tag) =	ssettag $0x1  }
0x1: {  	s6 =	rddreg [dreg:$0x0]  }
0x2: {  	s1 =	srdreg.scid;
	s2 =	rddreg [dreg:$0x1]  }
0x3: {  	s0 =	stileid.u32;
	s8 =	rddreg [dreg:$0x2];
	s3 =	simm.s32 $0x0  }
0x4: {  	s15 =	simm.s32 $0x100;
	s16 =	simm.s32 $0x2900;
	s17 =	simm.s32 $0x5100  }
0x5: {  	s18 =	simm.s32 $0x1;
	s19 =	simm.s32 $0x0;
	s4 =	smul.u32 $0x4E20, s0  }
0x6: {  	s7 =	sand.u32 $0x1, s1;
	s1 =	rddreg [dreg:$0x3];
	s9 =	smul.u32 $0x4E200, s0  }
0x7: {  	[smem:$0x7FF] =	sst s3;
	s5 =	smul.u32 $0x2710, s7;
	s10 =	ssub.s32 $0x2, s7  }
0x8: {  	_ =	strace $0x80000047;
	s13 =	smul.u32 $0x27100, s7;
	s12 =	sshrl.u32 s10, $0x1  }
0x9: {  	s14 =	sadd.s32 s9, s6;
	s30 =	sadd.s32 s9, s8;
	s4 =	sadd.s32 s5, s4  }
0xa: {  	s5 =	sadd.s32 $0x3D600, s6;
	s29 =	ssub.s32 s10, s12;
	s7 =	sadd.s32 s13, s30  }
0xb: {  	s31 =	sadd.s32 s13, s14;
	s12 =	simm.s32 $0x2;
	s13 =	simm.s32 $0x80  }
0xc: {  	s14 =	simm.s32 $0x50;
	s4 =	sshrl.u32 s4, $0x3;
	s8 =	sadd.s32 $0x64800, s31  }
0xd: {  	s9 =	sadd.s32 $0x546800, s31;
	s11 =	sadd.s32 s4, s6;
	s4 =	sadd.s32 $0x16400, s6  }
0xe: {  	s6 =	smax.u32 s29, $0x1;
	s10 =	sadd.s32 $0xC600, s11;
	s11 =	sadd.s32 $0x2800, s11  }
.LBB2_1:
0xf: {  	[tilespmem:s3], [sflag:$0x2] =	stream.linear.gather [hbm4b:s11+s3], $0x50, $0x38;
	[tilespmem:$0x7900] =	vst v63  }
0x10: {  	_ =	swait.ge [sflag:s12], $0x50  }
0x11: {  	[sflag:s12] =	ssyncset.done $0x0  }
0x12: {  	[sflag:s12] =	ssyncadd.s32 $0xFFFFFFB0  }
0x13: {  	[tilespmem:s13], [sflag:$0x2] =	stream.linear.gather [hbm4b:s10+s3], $0x50, $0x38;
	[tilespmem:$0x7900] =	vst v63  }
0x14: {  	_ =	swait.ge [sflag:s12], $0x50  }
0x15: {  	[sflag:s12] =	ssyncset.done $0x0  }
0x16: {  	[sflag:s12] =	ssyncadd.s32 $0xFFFFFFB0  }
0x17: {  	[tilespmem:s15], [sflag:$0x1] =	stream.indirect.gather [hbm4b:s2+s14], $0x80, s3, s14, $0xb8;
	[tilespmem:$0x7900] =	vst v63  }
0x18: {  	_ = 	snop  }
0x19: {  	[tilespmem:s16], [sflag:$0x1] =	stream.indirect.gather [hbm4b:s4+s14], $0x80, s13, s14, $0xb8;
	[tilespmem:$0x7900] =	vst v63  }
0x1a: {  	_ = 	snop  }
0x1b: {  	[tilespmem:s17], [sflag:$0x1] =	stream.indirect.gather [hbm4b:s5+s14], $0x80, s3, s14, $0xb8;
	[tilespmem:$0x7900] =	vst v63  }
0x1c: {  	_ =	swait.ge [sflag:s18], $0x2800  }
0x1d: {  	[sflag:s18] =	ssyncset.done $0x0  }
0x1e: {  	[sflag:s18] =	ssyncadd.s32 $0xFFFFD800  }
0x1f: {  	_ =	swait.ge [sflag:s18], $0x2800  }
0x20: {  	[sflag:s18] =	ssyncset.done $0x0  }
0x21: {  	[sflag:s18] =	ssyncadd.s32 $0xFFFFD800  }
0x22: {  	_ =	swait.ge [sflag:s18], $0x2800  }
0x23: {  	[sflag:s18] =	ssyncset.done $0x0  }
0x24: {  	s20 =	sadd.s32 $0x0, s7;
	[sflag:s18] =	ssyncadd.s32 $0xFFFFD800  }
0x25: {  	[hbm4b:s20+s3] =	stream.linear.scatter [tilespmem:s15], [sflag:$0x2], $0x2800, $0x38;
	[tilespmem:$0x7900] =	vst v63  }
0x26: {  	_ =	swait.ge [sflag:s12], $0x2800  }
0x27: {  	[sflag:s12] =	ssyncset.done $0x0  }
0x28: {  	s30 =	sadd.s32 $0x0, s8;
	[sflag:s12] =	ssyncadd.s32 $0xFFFFD800  }
0x29: {  	[hbm4b:s30+s3] =	stream.linear.scatter [tilespmem:s16], [sflag:$0x2], $0x2800, $0x38;
	[tilespmem:$0x7900] =	vst v63  }
0x2a: {  	_ =	swait.ge [sflag:s12], $0x2800  }
0x2b: {  	[sflag:s12] =	ssyncset.done $0x0  }
0x2c: {  	s31 =	sadd.s32 $0x0, s9;
	[sflag:s12] =	ssyncadd.s32 $0xFFFFD800  }
0x2d: {  	[hbm4b:s31+s3] =	stream.linear.scatter [tilespmem:s17], [sflag:$0x2], $0x2800, $0x38;
	[tilespmem:$0x7900] =	vst v63  }
0x2e: {  	s21 =	smov.u32 s10;
	_ =	swait.ge [sflag:s12], $0x2800  }
0x2f: {  	s22 =	smov.u32 s11;
	s20 =	simm.s32 $0x500;
	[sflag:s12] =	ssyncset.done $0x0  }
.LBB2_2:
0x30: {  	[sflag:s12] =	ssyncadd.s32 $0xFFFFD800  }
0x31: {  	s21 =	sadd.s32 $0xA, s21;
	s22 =	sadd.s32 $0xA, s22;
	s23 =	smov.u32 s20  }
0x32: {  	[tilespmem:s3], [sflag:$0x2] =	stream.linear.gather [hbm4b:s22+s3], $0x50, $0x38;
	[tilespmem:$0x7900] =	vst v63  }
0x33: {  	p0 =	sne.s32 s20, $0x26C00;
	s20 =	sadd.s32 $0x500, s20;
	_ =	swait.ge [sflag:s12], $0x50  }
0x34: {  	[sflag:s12] =	ssyncset.done $0x0  }
0x35: {  	[sflag:s12] =	ssyncadd.s32 $0xFFFFFFB0  }
0x36: {  	[tilespmem:s13], [sflag:$0x2] =	stream.linear.gather [hbm4b:s21+s3], $0x50, $0x38;
	[tilespmem:$0x7900] =	vst v63  }
0x37: {  	_ =	swait.ge [sflag:s12], $0x50  }
0x38: {  	[sflag:s12] =	ssyncset.done $0x0  }
0x39: {  	[sflag:s12] =	ssyncadd.s32 $0xFFFFFFB0  }
0x3a: {  	[tilespmem:s15], [sflag:$0x1] =	stream.indirect.gather [hbm4b:s2+s14], $0x80, s3, s14, $0xb8;
	[tilespmem:$0x7900] =	vst v63  }
0x3b: {  	_ = 	snop  }
0x3c: {  	[tilespmem:s16], [sflag:$0x1] =	stream.indirect.gather [hbm4b:s4+s14], $0x80, s13, s14, $0xb8;
	[tilespmem:$0x7900] =	vst v63  }
0x3d: {  	_ = 	snop  }
0x3e: {  	[tilespmem:s17], [sflag:$0x1] =	stream.indirect.gather [hbm4b:s5+s14], $0x80, s3, s14, $0xb8;
	[tilespmem:$0x7900] =	vst v63  }
0x3f: {  	_ =	swait.ge [sflag:s18], $0x2800  }
0x40: {  	[sflag:s18] =	ssyncset.done $0x0  }
0x41: {  	[sflag:s18] =	ssyncadd.s32 $0xFFFFD800  }
0x42: {  	_ =	swait.ge [sflag:s18], $0x2800  }
0x43: {  	[sflag:s18] =	ssyncset.done $0x0  }
0x44: {  	[sflag:s18] =	ssyncadd.s32 $0xFFFFD800  }
0x45: {  	_ =	swait.ge [sflag:s18], $0x2800  }
0x46: {  	[sflag:s18] =	ssyncset.done $0x0  }
0x47: {  	s24 =	sadd.s32 s23, s7;
	[sflag:s18] =	ssyncadd.s32 $0xFFFFD800  }
0x48: {  	[hbm4b:s24+s3] =	stream.linear.scatter [tilespmem:s15], [sflag:$0x2], $0x2800, $0x38;
	[tilespmem:$0x7900] =	vst v63  }
0x49: {  	_ =	swait.ge [sflag:s12], $0x2800  }
0x4a: {  	[sflag:s12] =	ssyncset.done $0x0  }
0x4b: {  	s24 =	sadd.s32 s23, s8;
	[sflag:s12] =	ssyncadd.s32 $0xFFFFD800  }
0x4c: {  	[hbm4b:s24+s3] =	stream.linear.scatter [tilespmem:s16], [sflag:$0x2], $0x2800, $0x38;
	[tilespmem:$0x7900] =	vst v63  }
0x4d: {  	_ =	swait.ge [sflag:s12], $0x2800  }
.Ltmp0:
0x4e: {  	[sflag:s12] =	ssyncset.done $0x0;
	(pc) =	sbr.rel @p0 .LBB2_2-.Ltmp0, $4  }
0x4f: {  	s23 =	sadd.s32 s23, s9;
	[sflag:s12] =	ssyncadd.s32 $0xFFFFD800  }
0x50: {  	[hbm4b:s23+s3] =	stream.linear.scatter [tilespmem:s17], [sflag:$0x2], $0x2800, $0x38;
	[tilespmem:$0x7900] =	vst v63  }
0x51: {  	_ =	swait.ge [sflag:s12], $0x2800  }
0x52: {  	[sflag:s12] =	ssyncset.done $0x0  }
0x53: {  	s19 =	sadd.s32 $0x1, s19  }
0x54: {  	p0 =	sne.s32 s19, s6  }
.Ltmp1:
0x55: {  	_ = 	snop;
	(pc) =	sbr.rel @p0 .LBB2_1-.Ltmp1, $2  }
0x56: {  	_ =	sdelay $0x2  }
0x57: {  	[sflag:s12] =	ssyncadd.s32 $0xFFFFD800  }
0x58: {  	_ =	sfence.sel $0x180000  }
0x59: {  	[bflag:$0x0] =	sbarrier.arrive $0xFFFF  }
0x5a: {  	p0 =	sne.s32 s0, $0x0;
	_ =	strace $0x90000047  }
0x5b: {  	s0 =	sadd.s32 @!p0 $0x100000, s1;
	[bflag:$0x2] =	sbarrier.arrive $0xFFFF  }
0x5c: {  	[sflag:s0] =	ssyncadd.tile.s32 @!p0 $0x1;
	_ =	shalt  }
.Lfunc_end2:
_tile_overlayer_lowered:
.L_overlay_start_2:
0x5d: {  	(tag) =	ssettag $0x2  }
0x5e: {  	s0 =	rddreg [dreg:$0x0];
	s2 =	stileid.u32  }
0x5f: {  	s1 =	rddreg [dreg:$0x1];
	p0 =	sne.s32 s2, $0x0  }
0x60: {  	s3 =	rddreg [dreg:$0x2];
	[bflag:$0x3] =	sbarrier.arrive $0xFFFF;
	s2 =	simm.s32 @!p0 $0x1C02  }
0x61: {  	[timem:s3], [sflag:s2] =	dma.local @!p0 [hbm:s0], s1  }
0x62: {  	s0 =	simm.s32 @!p0 $0x2  }
0x63: {  	_ =	swait.ge @!p0 [sflag:s0], s1  }
0x64: {  	s1 =	ssub.s32 @!p0 $0x0, s1;
	[sflag:s0] =	ssyncset.done @!p0 $0x0  }
0x65: {  	[sflag:s0] =	ssyncadd.s32 @!p0 s1  }
0x66: {  	[bflag:$0x3] =	sbarrier.arrive $0xFFFF  }
0x67: {  	_ =	shalt  }

</sc_bundles>
